<compile_context>
chip_gen: v7x
topology: tpu7x:2x2x1
jax: 0.10.2.dev20260603
libtpu: 0.0.44.dev20260713+nightly
codegen_flags: <defaults>
</compile_context>

<pallas_src>
import functools

import jax
import jax.numpy as jnp
from jax import lax
from jax.experimental import pallas as pl
from jax.experimental.pallas import tpu as pltpu
from jax.experimental.pallas import tpu_sc as plsc

N_NODES = 10000
N_EDGES = 320000
D = 128

NC = 2
NS = 16
NW = NC * NS
PER_W = N_EDGES // NW
CHUNK = 100
N_CHUNKS = PER_W // CHUNK
IBLK = 20
N_IBLKS = N_CHUNKS // IBLK
RPS = 624
TAIL = N_NODES - NS * RPS


def _tc_pre(feature, norm, W):
    BM = 1000

    def body(f_ref, n_ref, w_ref, o_ref):
        o_ref[...] = jnp.dot(f_ref[...] * n_ref[...], w_ref[...],
                             preferred_element_type=jnp.float32)

    return pl.pallas_call(
        body,
        grid=(N_NODES // BM,),
        in_specs=[
            pl.BlockSpec((BM, D), lambda i: (i, 0)),
            pl.BlockSpec((BM, 1), lambda i: (i, 0)),
            pl.BlockSpec((D, D), lambda i: (0, 0)),
        ],
        out_specs=pl.BlockSpec((BM, D), lambda i: (i, 0)),
        out_shape=jax.ShapeDtypeStruct((N_NODES, D), jnp.float32),
    )(feature, norm, W)


def _sc_segsum(y, src_r, dst_r, zeros):
    mesh = plsc.VectorSubcoreMesh(core_axis_name="c", subcore_axis_name="s")

    @functools.partial(
        pl.kernel,
        mesh=mesh,
        out_type=jax.ShapeDtypeStruct((NC, N_NODES, D), jnp.float32),
        scratch_types=[
            pltpu.VMEM((IBLK, CHUNK), jnp.int32),
            pltpu.VMEM((IBLK, CHUNK), jnp.int32),
            pltpu.VMEM((CHUNK, D), jnp.float32),
            pltpu.VMEM((CHUNK, D), jnp.float32),
            pltpu.VMEM((CHUNK, D), jnp.float32),
            pltpu.VMEM_SHARED((N_NODES, D), jnp.float32),
            pltpu.SemaphoreType.DMA,
            pltpu.SemaphoreType.DMA,
            pltpu.SemaphoreType.DMA,
        ],
    )
    def k(y_hbm, src_hbm, dst_hbm, z_hbm, out_hbm, src_all, dst_all,
          rows0, rows1, rows2, acc_sh, sem0, sem1, sem2):
        cid = lax.axis_index("c")
        sid = lax.axis_index("s")
        wid = sid * NC + cid

        bufs = (rows0, rows1, rows2)
        sems = (sem0, sem1, sem2)

        def fire(c, b):
            pltpu.async_copy(y_hbm.at[src_all.at[c]], bufs[b], sems[b])

        def wait(c, b):
            pltpu.make_async_copy(y_hbm.at[src_all.at[c]], bufs[b],
                                  sems[b]).wait()

        def scat(c, b):
            pltpu.sync_copy(bufs[b], acc_sh.at[dst_all.at[c]], add=True)

        pltpu.sync_copy(src_hbm.at[wid, 0], src_all)
        pltpu.sync_copy(dst_hbm.at[wid, 0], dst_all)
        fire(0, 0)
        fire(1, 1)

        pltpu.sync_copy(z_hbm.at[pl.ds(0, RPS)],
                        acc_sh.at[pl.ds(sid * RPS, RPS)])

        @pl.when(sid == 0)
        def _():
            pltpu.sync_copy(z_hbm.at[pl.ds(RPS, TAIL)],
                            acc_sh.at[pl.ds(NS * RPS, TAIL)])

        plsc.subcore_barrier()

        @pl.loop(0, N_IBLKS)
        def _(blk):
            @pl.when(blk > 0)
            def _():
                pltpu.sync_copy(src_hbm.at[wid, blk], src_all)
                pltpu.sync_copy(dst_hbm.at[wid, blk], dst_all)
                fire(0, 0)
                fire(1, 1)

            @pl.loop(0, IBLK - 4, step=3)
            def _(c):
                fire(c + 2, 2)
                wait(c, 0)
                scat(c, 0)
                fire(c + 3, 0)
                wait(c + 1, 1)
                scat(c + 1, 1)
                fire(c + 4, 1)
                wait(c + 2, 2)
                scat(c + 2, 2)

            wait(IBLK - 2, 0)
            scat(IBLK - 2, 0)
            wait(IBLK - 1, 1)
            scat(IBLK - 1, 1)

        plsc.subcore_barrier()
        pltpu.sync_copy(acc_sh.at[pl.ds(sid * RPS, RPS)],
                        out_hbm.at[cid, pl.ds(sid * RPS, RPS)])

        @pl.when(sid == 0)
        def _():
            pltpu.sync_copy(acc_sh.at[pl.ds(NS * RPS, TAIL)],
                            out_hbm.at[cid, pl.ds(NS * RPS, TAIL)])

    return k(y, src_r, dst_r, zeros)


def _tc_post(partials, norm, b2):
    BM = 1000

    def body(p_ref, n_ref, b_ref, o_ref):
        s = p_ref[0] + p_ref[1]
        o_ref[...] = jnp.maximum(s * n_ref[...] + b_ref[...], 0.0)

    return pl.pallas_call(
        body,
        grid=(N_NODES // BM,),
        in_specs=[
            pl.BlockSpec((NC, BM, D), lambda i: (0, i, 0)),
            pl.BlockSpec((BM, 1), lambda i: (i, 0)),
            pl.BlockSpec((1, D), lambda i: (0, 0)),
        ],
        out_specs=pl.BlockSpec((BM, D), lambda i: (i, 0)),
        out_shape=jax.ShapeDtypeStruct((N_NODES, D), jnp.float32),
    )(partials, norm, b2)


def kernel(feature, norm, edge_index, W, b):
    e = edge_index.astype(jnp.int32)
    src_r = e[0].reshape(NW, N_IBLKS, IBLK, CHUNK)
    dst_r = e[1].reshape(NW, N_IBLKS, IBLK, CHUNK)
    y = _tc_pre(feature, norm, W)
    zeros = jnp.zeros((RPS + TAIL, D), jnp.float32)
    partials = _sc_segsum(y, src_r, dst_r, zeros)
    return _tc_post(partials, norm, b.reshape(1, D))

# --- scband reference (transcript-rebuilt; emitter-appended) ---
"""Pipeline reference for scband-gcn-88364657148287 (READ-ONLY COPY).

The authoritative reference and input builder live on the scoring server;
editing this copy changes nothing except your own understanding.
"""

import jax, jax.numpy as jnp
import numpy as np

N_NODES = 10000
N_EDGES = 320000
D_FEAT = 128


def setup_inputs(seed: int = 0) -> dict:
    key = jax.random.key(seed)
    k1, k2, k3, k4, k5 = jax.random.split(key, 5)
    feature = jax.random.normal(k1, (N_NODES, D_FEAT), dtype=jnp.float32)
    norm = jax.random.uniform(k2, (N_NODES, 1), dtype=jnp.float32)
    edge_index = jax.random.randint(k3, (2, N_EDGES), 0, N_NODES, dtype=jnp.int64)
    # Linear layer params of NodeApplyModule (in_feats=128, out_feats=128)
    bound = 1.0 / np.sqrt(D_FEAT)
    W = jax.random.uniform(k4, (D_FEAT, D_FEAT), minval=-bound, maxval=bound, dtype=jnp.float32)
    b = jax.random.uniform(k5, (D_FEAT,), minval=-bound, maxval=bound, dtype=jnp.float32)
    return {"feature": feature, "norm": norm, "edge_index": edge_index, "W": W, "b": b}


def reference(feature, norm, edge_index, W, b):
    src = edge_index[0]
    dst = edge_index[1]
    # gcn_msg: msg = src.h * src.norm  (gather)
    msg = feature[src] * norm[src]
    # reduce: accum = sum(mailbox) * dst.norm  (scatter-add / segment_sum)
    accum = jax.ops.segment_sum(msg, dst, num_segments=N_NODES)
    h = accum * norm
    # apply_nodes: linear + activation
    h = h @ W + b
    h = jax.nn.relu(h)
    return h

if __name__ == "__main__":
    import jax
    _d = setup_inputs()
    print(jax.jit(kernel)(*tuple(_d.values())))

</pallas_src>

<mosaic_0001>
#map = affine_map<(d0, d1) -> (0, 0)>
#map1 = affine_map<(d0, d1) -> (0, 0, 0, 0)>
#map2 = affine_map<(d0, d1) -> (0, 0, 0)>
module attributes {stable_mosaic.version = 14 : i64} {
  func.func @k(%arg0: i32, %arg1: i32, %arg2: memref<10000x128xf32, #tpu.memory_space<hbm>>, %arg3: memref<32x5x20x100xi32, #tpu.memory_space<hbm>>, %arg4: memref<32x5x20x100xi32, #tpu.memory_space<hbm>>, %arg5: memref<640x128xf32, #tpu.memory_space<hbm>>, %arg6: memref<2x10000x128xf32, #tpu.memory_space<hbm>>, %arg7: memref<20x100xi32, #tpu.memory_space<vmem>>, %arg8: memref<20x100xi32, #tpu.memory_space<vmem>>, %arg9: memref<100x128xf32, #tpu.memory_space<vmem>>, %arg10: memref<100x128xf32, #tpu.memory_space<vmem>>, %arg11: memref<100x128xf32, #tpu.memory_space<vmem>>, %arg12: memref<10000x128xf32, #tpu.memory_space<vmem_shared>>, %arg13: memref<!tpu.dma_semaphore, #tpu.memory_space<semaphore_mem>>, %arg14: memref<!tpu.dma_semaphore, #tpu.memory_space<semaphore_mem>>, %arg15: memref<!tpu.dma_semaphore, #tpu.memory_space<semaphore_mem>>) attributes {dimension_semantics = [#tpu.dimension_semantics<core_parallel>, #tpu.dimension_semantics<subcore_parallel>], iteration_bounds = array<i64: 2, 16>, scalar_prefetch = 0 : i64, scratch_operands = 9 : i64, tpu.core_type = #tpu.core_type<sc_vector_subcore>, window_params = [{transform_indices = #map}, {transform_indices = #map1}, {transform_indices = #map1}, {transform_indices = #map}, {transform_indices = #map2}]} {
    %mul3A = arith.constant 2 : i32
    %mul3A_0 = arith.muli %arg1, %mul3A : i32
    %add3A = arith.addi %mul3A_0, %arg0 : i32
    %run_scoped3A = arith.constant 0 : i32
    "tpu.region"() ({
      %run_scoped3A_33 = tpu.sem_alloc : memref<!tpu.dma_semaphore, #tpu.memory_space<semaphore_mem>>
      %dma_start3A_34 = arith.constant 0 : i32
      %dma_start3A_35 = arith.constant 0 : i32
      %dma_start3A_36 = tpu.memref_slice %arg3[%add3A, %run_scoped3A, %dma_start3A_34, %dma_start3A_35] : memref<32x5x20x100xi32, #tpu.memory_space<hbm>> -> memref<1x1x20x100xi32, #tpu.memory_space<hbm>>
      %dma_start3A_37 = tpu.memref_squeeze %dma_start3A_36 : memref<1x1x20x100xi32, #tpu.memory_space<hbm>> -> memref<20x100xi32, #tpu.memory_space<hbm>>
      %dma_start3A_38 = arith.constant 0 : i32
      %dma_start3A_39 = arith.constant 0 : i32
      %dma_start3A_40 = tpu.memref_slice %arg3[%add3A, %run_scoped3A, %dma_start3A_38, %dma_start3A_39] : memref<32x5x20x100xi32, #tpu.memory_space<hbm>> -> memref<1x1x20x100xi32, #tpu.memory_space<hbm>>
      %dma_start3A_41 = tpu.memref_squeeze %dma_start3A_40 : memref<1x1x20x100xi32, #tpu.memory_space<hbm>> -> memref<20x100xi32, #tpu.memory_space<hbm>>
      tpu.enqueue_dma source(%dma_start3A_41 : memref<20x100xi32, #tpu.memory_space<hbm>>) target(%arg7 : memref<20x100xi32, #tpu.memory_space<vmem>>) target_semaphore(%run_scoped3A_33 : memref<!tpu.dma_semaphore, #tpu.memory_space<semaphore_mem>>)
      %dma_wait3A = arith.constant 0 : i32
      %dma_wait3A_42 = arith.constant 0 : i32
      %dma_wait3A_43 = tpu.memref_slice %arg3[%add3A, %run_scoped3A, %dma_wait3A, %dma_wait3A_42] : memref<32x5x20x100xi32, #tpu.memory_space<hbm>> -> memref<1x1x20x100xi32, #tpu.memory_space<hbm>>
      %dma_wait3A_44 = tpu.memref_squeeze %dma_wait3A_43 : memref<1x1x20x100xi32, #tpu.memory_space<hbm>> -> memref<20x100xi32, #tpu.memory_space<hbm>>
      %dma_wait3A_45 = arith.constant 0 : i32
      %dma_wait3A_46 = arith.constant 0 : i32
      %dma_wait3A_47 = tpu.memref_slice %arg3[%add3A, %run_scoped3A, %dma_wait3A_45, %dma_wait3A_46] : memref<32x5x20x100xi32, #tpu.memory_space<hbm>> -> memref<1x1x20x100xi32, #tpu.memory_space<hbm>>
      %dma_wait3A_48 = tpu.memref_squeeze %dma_wait3A_47 : memref<1x1x20x100xi32, #tpu.memory_space<hbm>> -> memref<20x100xi32, #tpu.memory_space<hbm>>
      tpu.wait_dma2 semaphore(%run_scoped3A_33 : memref<!tpu.dma_semaphore, #tpu.memory_space<semaphore_mem>>) src(%dma_wait3A_48 : memref<20x100xi32, #tpu.memory_space<hbm>>) dst(%arg7 : memref<20x100xi32, #tpu.memory_space<vmem>>)
      tpu.yield
    }) : () -> ()
    %run_scoped3A_1 = arith.constant 0 : i32
    "tpu.region"() ({
      %run_scoped3A_33 = tpu.sem_alloc : memref<!tpu.dma_semaphore, #tpu.memory_space<semaphore_mem>>
      %dma_start3A_34 = arith.constant 0 : i32
      %dma_start3A_35 = arith.constant 0 : i32
      %dma_start3A_36 = tpu.memref_slice %arg4[%add3A, %run_scoped3A_1, %dma_start3A_34, %dma_start3A_35] : memref<32x5x20x100xi32, #tpu.memory_space<hbm>> -> memref<1x1x20x100xi32, #tpu.memory_space<hbm>>
      %dma_start3A_37 = tpu.memref_squeeze %dma_start3A_36 : memref<1x1x20x100xi32, #tpu.memory_space<hbm>> -> memref<20x100xi32, #tpu.memory_space<hbm>>
      %dma_start3A_38 = arith.constant 0 : i32
      %dma_start3A_39 = arith.constant 0 : i32
      %dma_start3A_40 = tpu.memref_slice %arg4[%add3A, %run_scoped3A_1, %dma_start3A_38, %dma_start3A_39] : memref<32x5x20x100xi32, #tpu.memory_space<hbm>> -> memref<1x1x20x100xi32, #tpu.memory_space<hbm>>
      %dma_start3A_41 = tpu.memref_squeeze %dma_start3A_40 : memref<1x1x20x100xi32, #tpu.memory_space<hbm>> -> memref<20x100xi32, #tpu.memory_space<hbm>>
      tpu.enqueue_dma source(%dma_start3A_41 : memref<20x100xi32, #tpu.memory_space<hbm>>) target(%arg8 : memref<20x100xi32, #tpu.memory_space<vmem>>) target_semaphore(%run_scoped3A_33 : memref<!tpu.dma_semaphore, #tpu.memory_space<semaphore_mem>>)
      %dma_wait3A = arith.constant 0 : i32
      %dma_wait3A_42 = arith.constant 0 : i32
      %dma_wait3A_43 = tpu.memref_slice %arg4[%add3A, %run_scoped3A_1, %dma_wait3A, %dma_wait3A_42] : memref<32x5x20x100xi32, #tpu.memory_space<hbm>> -> memref<1x1x20x100xi32, #tpu.memory_space<hbm>>
      %dma_wait3A_44 = tpu.memref_squeeze %dma_wait3A_43 : memref<1x1x20x100xi32, #tpu.memory_space<hbm>> -> memref<20x100xi32, #tpu.memory_space<hbm>>
      %dma_wait3A_45 = arith.constant 0 : i32
      %dma_wait3A_46 = arith.constant 0 : i32
      %dma_wait3A_47 = tpu.memref_slice %arg4[%add3A, %run_scoped3A_1, %dma_wait3A_45, %dma_wait3A_46] : memref<32x5x20x100xi32, #tpu.memory_space<hbm>> -> memref<1x1x20x100xi32, #tpu.memory_space<hbm>>
      %dma_wait3A_48 = tpu.memref_squeeze %dma_wait3A_47 : memref<1x1x20x100xi32, #tpu.memory_space<hbm>> -> memref<20x100xi32, #tpu.memory_space<hbm>>
      tpu.wait_dma2 semaphore(%run_scoped3A_33 : memref<!tpu.dma_semaphore, #tpu.memory_space<semaphore_mem>>) src(%dma_wait3A_48 : memref<20x100xi32, #tpu.memory_space<hbm>>) dst(%arg8 : memref<20x100xi32, #tpu.memory_space<vmem>>)
      tpu.yield
    }) : () -> ()
    %dma_start3A = arith.constant 0 : i32
    %dma_start3A_2 = arith.constant 0 : i32
    %dma_start3A_3 = tpu.memref_slice %arg7[%dma_start3A, %dma_start3A_2] : memref<20x100xi32, #tpu.memory_space<vmem>> -> memref<1x100xi32, #tpu.memory_space<vmem>>
    %dma_start3A_4 = tpu.memref_squeeze %dma_start3A_3 : memref<1x100xi32, #tpu.memory_space<vmem>> -> memref<100xi32, #tpu.memory_space<vmem>>
    %dma_start3A_5 = arith.constant 0 : i32
    %dma_start3A_6 = arith.constant 0 : i32
    %dma_start3A_7 = tpu.memref_slice %arg2[%dma_start3A_5, %dma_start3A_6] : memref<10000x128xf32, #tpu.memory_space<hbm>> -> memref<10000x128xf32, #tpu.memory_space<hbm>>
    tpu.enqueue_indirect_dma source(%dma_start3A_7 : memref<10000x128xf32, #tpu.memory_space<hbm>>) target(%arg9 : memref<100x128xf32, #tpu.memory_space<vmem>>) offsets(%dma_start3A_4 : memref<100xi32, #tpu.memory_space<vmem>>) semaphore(%arg13 : memref<!tpu.dma_semaphore, #tpu.memory_space<semaphore_mem>>)
    %dma_start3A_8 = arith.constant 1 : i32
    %dma_start3A_9 = arith.constant 0 : i32
    %dma_start3A_10 = tpu.memref_slice %arg7[%dma_start3A_8, %dma_start3A_9] : memref<20x100xi32, #tpu.memory_space<vmem>> -> memref<1x100xi32, #tpu.memory_space<vmem>>
    %dma_start3A_11 = tpu.memref_squeeze %dma_start3A_10 : memref<1x100xi32, #tpu.memory_space<vmem>> -> memref<100xi32, #tpu.memory_space<vmem>>
    %dma_start3A_12 = arith.constant 0 : i32
    %dma_start3A_13 = arith.constant 0 : i32
    %dma_start3A_14 = tpu.memref_slice %arg2[%dma_start3A_12, %dma_start3A_13] : memref<10000x128xf32, #tpu.memory_space<hbm>> -> memref<10000x128xf32, #tpu.memory_space<hbm>>
    tpu.enqueue_indirect_dma source(%dma_start3A_14 : memref<10000x128xf32, #tpu.memory_space<hbm>>) target(%arg10 : memref<100x128xf32, #tpu.memory_space<vmem>>) offsets(%dma_start3A_11 : memref<100xi32, #tpu.memory_space<vmem>>) semaphore(%arg14 : memref<!tpu.dma_semaphore, #tpu.memory_space<semaphore_mem>>)
    %mul3A_15 = arith.constant 624 : i32
    %mul3A_16 = arith.muli %arg1, %mul3A_15 : i32
    "tpu.region"() ({
      %run_scoped3A_33 = tpu.sem_alloc : memref<!tpu.dma_semaphore, #tpu.memory_space<semaphore_mem>>
      %dma_start3A_34 = arith.constant 0 : i32
      %dma_start3A_35 = tpu.memref_slice %arg12[%mul3A_16, %dma_start3A_34] : memref<10000x128xf32, #tpu.memory_space<vmem_shared>> -> memref<624x128xf32, #tpu.memory_space<vmem_shared>>
      %dma_start3A_36 = arith.constant 0 : i32
      %dma_start3A_37 = arith.constant 0 : i32
      %dma_start3A_38 = tpu.memref_slice %arg5[%dma_start3A_36, %dma_start3A_37] : memref<640x128xf32, #tpu.memory_space<hbm>> -> memref<624x128xf32, #tpu.memory_space<hbm>>
      tpu.enqueue_dma source(%dma_start3A_38 : memref<624x128xf32, #tpu.memory_space<hbm>>) target(%dma_start3A_35 : memref<624x128xf32, #tpu.memory_space<vmem_shared>>) target_semaphore(%run_scoped3A_33 : memref<!tpu.dma_semaphore, #tpu.memory_space<semaphore_mem>>)
      %dma_wait3A = arith.constant 0 : i32
      %dma_wait3A_39 = tpu.memref_slice %arg12[%mul3A_16, %dma_wait3A] : memref<10000x128xf32, #tpu.memory_space<vmem_shared>> -> memref<624x128xf32, #tpu.memory_space<vmem_shared>>
      %dma_wait3A_40 = arith.constant 0 : i32
      %dma_wait3A_41 = arith.constant 0 : i32
      %dma_wait3A_42 = tpu.memref_slice %arg5[%dma_wait3A_40, %dma_wait3A_41] : memref<640x128xf32, #tpu.memory_space<hbm>> -> memref<624x128xf32, #tpu.memory_space<hbm>>
      tpu.wait_dma2 semaphore(%run_scoped3A_33 : memref<!tpu.dma_semaphore, #tpu.memory_space<semaphore_mem>>) src(%dma_wait3A_42 : memref<624x128xf32, #tpu.memory_space<hbm>>) dst(%dma_wait3A_39 : memref<624x128xf32, #tpu.memory_space<vmem_shared>>)
      tpu.yield
    }) : () -> ()
    %eq3A = arith.constant 0 : i32
    %eq3A_17 = arith.cmpi eq, %arg1, %eq3A : i32
    %convert_element_type3A = arith.extui %eq3A_17 : i1 to i32
    %cond3A = arith.constant 0 : i32
    %cond3A_18 = arith.cmpi ne, %convert_element_type3A, %cond3A : i32
    scf.if %cond3A_18 {
      "tpu.region"() ({
        %run_scoped3A_33 = tpu.sem_alloc : memref<!tpu.dma_semaphore, #tpu.memory_space<semaphore_mem>>
        %dma_start3A_34 = arith.constant 9984 : i32
        %dma_start3A_35 = arith.constant 0 : i32
        %dma_start3A_36 = tpu.memref_slice %arg12[%dma_start3A_34, %dma_start3A_35] : memref<10000x128xf32, #tpu.memory_space<vmem_shared>> -> memref<16x128xf32, #tpu.memory_space<vmem_shared>>
        %dma_start3A_37 = arith.constant 624 : i32
        %dma_start3A_38 = arith.constant 0 : i32
        %dma_start3A_39 = tpu.memref_slice %arg5[%dma_start3A_37, %dma_start3A_38] : memref<640x128xf32, #tpu.memory_space<hbm>> -> memref<16x128xf32, #tpu.memory_space<hbm>>
        tpu.enqueue_dma source(%dma_start3A_39 : memref<16x128xf32, #tpu.memory_space<hbm>>) target(%dma_start3A_36 : memref<16x128xf32, #tpu.memory_space<vmem_shared>>) target_semaphore(%run_scoped3A_33 : memref<!tpu.dma_semaphore, #tpu.memory_space<semaphore_mem>>)
        %dma_wait3A = arith.constant 9984 : i32
        %dma_wait3A_40 = arith.constant 0 : i32
        %dma_wait3A_41 = tpu.memref_slice %arg12[%dma_wait3A, %dma_wait3A_40] : memref<10000x128xf32, #tpu.memory_space<vmem_shared>> -> memref<16x128xf32, #tpu.memory_space<vmem_shared>>
        %dma_wait3A_42 = arith.constant 624 : i32
        %dma_wait3A_43 = arith.constant 0 : i32
        %dma_wait3A_44 = tpu.memref_slice %arg5[%dma_wait3A_42, %dma_wait3A_43] : memref<640x128xf32, #tpu.memory_space<hbm>> -> memref<16x128xf32, #tpu.memory_space<hbm>>
        tpu.wait_dma2 semaphore(%run_scoped3A_33 : memref<!tpu.dma_semaphore, #tpu.memory_space<semaphore_mem>>) src(%dma_wait3A_44 : memref<16x128xf32, #tpu.memory_space<hbm>>) dst(%dma_wait3A_41 : memref<16x128xf32, #tpu.memory_space<vmem_shared>>)
        tpu.yield
      }) : () -> ()
    } else {
    }
    %barrier3A = arith.constant 0 : index
    tpu.barrier barrier_id(%barrier3A)
    %scan3A = arith.constant 0 : i32
    %scan3A_19 = arith.constant 5 : i32
    %scan3A_20 = arith.addi %scan3A, %scan3A_19 : i32
    %scan3A_21 = arith.constant 1 : i32
    scf.for %scan3A_33 = %scan3A to %scan3A_20 step %scan3A_21  : i32 {
      %mul3A_34 = arith.constant 1 : i32
      %mul3A_35 = arith.muli %scan3A_33, %mul3A_34 : i32
      %add3A_36 = arith.constant 0 : i32
      %add3A_37 = arith.addi %add3A_36, %mul3A_35 : i32
      %gt3A = arith.constant 0 : i32
      %gt3A_38 = arith.cmpi sgt, %add3A_37, %gt3A : i32
      %convert_element_type3A_39 = arith.extui %gt3A_38 : i1 to i32
      %cond3A_40 = arith.constant 0 : i32
      %cond3A_41 = arith.cmpi ne, %convert_element_type3A_39, %cond3A_40 : i32
      scf.if %cond3A_41 {
        "tpu.region"() ({
          %run_scoped3A_76 = tpu.sem_alloc : memref<!tpu.dma_semaphore, #tpu.memory_space<semaphore_mem>>
          %dma_start3A_77 = arith.constant 0 : i32
          %dma_start3A_78 = arith.constant 0 : i32
          %dma_start3A_79 = tpu.memref_slice %arg3[%add3A, %add3A_37, %dma_start3A_77, %dma_start3A_78] : memref<32x5x20x100xi32, #tpu.memory_space<hbm>> -> memref<1x1x20x100xi32, #tpu.memory_space<hbm>>
          %dma_start3A_80 = tpu.memref_squeeze %dma_start3A_79 : memref<1x1x20x100xi32, #tpu.memory_space<hbm>> -> memref<20x100xi32, #tpu.memory_space<hbm>>
          %dma_start3A_81 = arith.constant 0 : i32
          %dma_start3A_82 = arith.constant 0 : i32
          %dma_start3A_83 = tpu.memref_slice %arg3[%add3A, %add3A_37, %dma_start3A_81, %dma_start3A_82] : memref<32x5x20x100xi32, #tpu.memory_space<hbm>> -> memref<1x1x20x100xi32, #tpu.memory_space<hbm>>
          %dma_start3A_84 = tpu.memref_squeeze %dma_start3A_83 : memref<1x1x20x100xi32, #tpu.memory_space<hbm>> -> memref<20x100xi32, #tpu.memory_space<hbm>>
          tpu.enqueue_dma source(%dma_start3A_84 : memref<20x100xi32, #tpu.memory_space<hbm>>) target(%arg7 : memref<20x100xi32, #tpu.memory_space<vmem>>) target_semaphore(%run_scoped3A_76 : memref<!tpu.dma_semaphore, #tpu.memory_space<semaphore_mem>>)
          %dma_wait3A_85 = arith.constant 0 : i32
          %dma_wait3A_86 = arith.constant 0 : i32
          %dma_wait3A_87 = tpu.memref_slice %arg3[%add3A, %add3A_37, %dma_wait3A_85, %dma_wait3A_86] : memref<32x5x20x100xi32, #tpu.memory_space<hbm>> -> memref<1x1x20x100xi32, #tpu.memory_space<hbm>>
          %dma_wait3A_88 = tpu.memref_squeeze %dma_wait3A_87 : memref<1x1x20x100xi32, #tpu.memory_space<hbm>> -> memref<20x100xi32, #tpu.memory_space<hbm>>
          %dma_wait3A_89 = arith.constant 0 : i32
          %dma_wait3A_90 = arith.constant 0 : i32
          %dma_wait3A_91 = tpu.memref_slice %arg3[%add3A, %add3A_37, %dma_wait3A_89, %dma_wait3A_90] : memref<32x5x20x100xi32, #tpu.memory_space<hbm>> -> memref<1x1x20x100xi32, #tpu.memory_space<hbm>>
          %dma_wait3A_92 = tpu.memref_squeeze %dma_wait3A_91 : memref<1x1x20x100xi32, #tpu.memory_space<hbm>> -> memref<20x100xi32, #tpu.memory_space<hbm>>
          tpu.wait_dma2 semaphore(%run_scoped3A_76 : memref<!tpu.dma_semaphore, #tpu.memory_space<semaphore_mem>>) src(%dma_wait3A_92 : memref<20x100xi32, #tpu.memory_space<hbm>>) dst(%arg7 : memref<20x100xi32, #tpu.memory_space<vmem>>)
          tpu.yield
        }) : () -> ()
        "tpu.region"() ({
          %run_scoped3A_76 = tpu.sem_alloc : memref<!tpu.dma_semaphore, #tpu.memory_space<semaphore_mem>>
          %dma_start3A_77 = arith.constant 0 : i32
          %dma_start3A_78 = arith.constant 0 : i32
          %dma_start3A_79 = tpu.memref_slice %arg4[%add3A, %add3A_37, %dma_start3A_77, %dma_start3A_78] : memref<32x5x20x100xi32, #tpu.memory_space<hbm>> -> memref<1x1x20x100xi32, #tpu.memory_space<hbm>>
          %dma_start3A_80 = tpu.memref_squeeze %dma_start3A_79 : memref<1x1x20x100xi32, #tpu.memory_space<hbm>> -> memref<20x100xi32, #tpu.memory_space<hbm>>
          %dma_start3A_81 = arith.constant 0 : i32
          %dma_start3A_82 = arith.constant 0 : i32
          %dma_start3A_83 = tpu.memref_slice %arg4[%add3A, %add3A_37, %dma_start3A_81, %dma_start3A_82] : memref<32x5x20x100xi32, #tpu.memory_space<hbm>> -> memref<1x1x20x100xi32, #tpu.memory_space<hbm>>
          %dma_start3A_84 = tpu.memref_squeeze %dma_start3A_83 : memref<1x1x20x100xi32, #tpu.memory_space<hbm>> -> memref<20x100xi32, #tpu.memory_space<hbm>>
          tpu.enqueue_dma source(%dma_start3A_84 : memref<20x100xi32, #tpu.memory_space<hbm>>) target(%arg8 : memref<20x100xi32, #tpu.memory_space<vmem>>) target_semaphore(%run_scoped3A_76 : memref<!tpu.dma_semaphore, #tpu.memory_space<semaphore_mem>>)
          %dma_wait3A_85 = arith.constant 0 : i32
          %dma_wait3A_86 = arith.constant 0 : i32
          %dma_wait3A_87 = tpu.memref_slice %arg4[%add3A, %add3A_37, %dma_wait3A_85, %dma_wait3A_86] : memref<32x5x20x100xi32, #tpu.memory_space<hbm>> -> memref<1x1x20x100xi32, #tpu.memory_space<hbm>>
          %dma_wait3A_88 = tpu.memref_squeeze %dma_wait3A_87 : memref<1x1x20x100xi32, #tpu.memory_space<hbm>> -> memref<20x100xi32, #tpu.memory_space<hbm>>
          %dma_wait3A_89 = arith.constant 0 : i32
          %dma_wait3A_90 = arith.constant 0 : i32
          %dma_wait3A_91 = tpu.memref_slice %arg4[%add3A, %add3A_37, %dma_wait3A_89, %dma_wait3A_90] : memref<32x5x20x100xi32, #tpu.memory_space<hbm>> -> memref<1x1x20x100xi32, #tpu.memory_space<hbm>>
          %dma_wait3A_92 = tpu.memref_squeeze %dma_wait3A_91 : memref<1x1x20x100xi32, #tpu.memory_space<hbm>> -> memref<20x100xi32, #tpu.memory_space<hbm>>
          tpu.wait_dma2 semaphore(%run_scoped3A_76 : memref<!tpu.dma_semaphore, #tpu.memory_space<semaphore_mem>>) src(%dma_wait3A_92 : memref<20x100xi32, #tpu.memory_space<hbm>>) dst(%arg8 : memref<20x100xi32, #tpu.memory_space<vmem>>)
          tpu.yield
        }) : () -> ()
        %dma_start3A_62 = arith.constant 0 : i32
        %dma_start3A_63 = arith.constant 0 : i32
        %dma_start3A_64 = tpu.memref_slice %arg7[%dma_start3A_62, %dma_start3A_63] : memref<20x100xi32, #tpu.memory_space<vmem>> -> memref<1x100xi32, #tpu.memory_space<vmem>>
        %dma_start3A_65 = tpu.memref_squeeze %dma_start3A_64 : memref<1x100xi32, #tpu.memory_space<vmem>> -> memref<100xi32, #tpu.memory_space<vmem>>
        %dma_start3A_66 = arith.constant 0 : i32
        %dma_start3A_67 = arith.constant 0 : i32
        %dma_start3A_68 = tpu.memref_slice %arg2[%dma_start3A_66, %dma_start3A_67] : memref<10000x128xf32, #tpu.memory_space<hbm>> -> memref<10000x128xf32, #tpu.memory_space<hbm>>
        tpu.enqueue_indirect_dma source(%dma_start3A_68 : memref<10000x128xf32, #tpu.memory_space<hbm>>) target(%arg9 : memref<100x128xf32, #tpu.memory_space<vmem>>) offsets(%dma_start3A_65 : memref<100xi32, #tpu.memory_space<vmem>>) semaphore(%arg13 : memref<!tpu.dma_semaphore, #tpu.memory_space<semaphore_mem>>)
        %dma_start3A_69 = arith.constant 1 : i32
        %dma_start3A_70 = arith.constant 0 : i32
        %dma_start3A_71 = tpu.memref_slice %arg7[%dma_start3A_69, %dma_start3A_70] : memref<20x100xi32, #tpu.memory_space<vmem>> -> memref<1x100xi32, #tpu.memory_space<vmem>>
        %dma_start3A_72 = tpu.memref_squeeze %dma_start3A_71 : memref<1x100xi32, #tpu.memory_space<vmem>> -> memref<100xi32, #tpu.memory_space<vmem>>
        %dma_start3A_73 = arith.constant 0 : i32
        %dma_start3A_74 = arith.constant 0 : i32
        %dma_start3A_75 = tpu.memref_slice %arg2[%dma_start3A_73, %dma_start3A_74] : memref<10000x128xf32, #tpu.memory_space<hbm>> -> memref<10000x128xf32, #tpu.memory_space<hbm>>
        tpu.enqueue_indirect_dma source(%dma_start3A_75 : memref<10000x128xf32, #tpu.memory_space<hbm>>) target(%arg10 : memref<100x128xf32, #tpu.memory_space<vmem>>) offsets(%dma_start3A_72 : memref<100xi32, #tpu.memory_space<vmem>>) semaphore(%arg14 : memref<!tpu.dma_semaphore, #tpu.memory_space<semaphore_mem>>)
      } else {
      }
      %scan3A_42 = arith.constant 0 : i32
      %scan3A_43 = arith.constant 6 : i32
      %scan3A_44 = arith.addi %scan3A_42, %scan3A_43 : i32
      %scan3A_45 = arith.constant 1 : i32
      scf.for %scan3A_62 = %scan3A_42 to %scan3A_44 step %scan3A_45  : i32 {
        %mul3A_63 = arith.constant 3 : i32
        %mul3A_64 = arith.muli %scan3A_62, %mul3A_63 : i32
        %add3A_65 = arith.constant 0 : i32
        %add3A_66 = arith.addi %add3A_65, %mul3A_64 : i32
        %add3A_67 = arith.constant 2 : i32
        %add3A_68 = arith.addi %add3A_66, %add3A_67 : i32
        %dma_start3A_69 = arith.constant 0 : i32
        %dma_start3A_70 = tpu.memref_slice %arg7[%add3A_68, %dma_start3A_69] : memref<20x100xi32, #tpu.memory_space<vmem>> -> memref<1x100xi32, #tpu.memory_space<vmem>>
        %dma_start3A_71 = tpu.memref_squeeze %dma_start3A_70 : memref<1x100xi32, #tpu.memory_space<vmem>> -> memref<100xi32, #tpu.memory_space<vmem>>
        %dma_start3A_72 = arith.constant 0 : i32
        %dma_start3A_73 = arith.constant 0 : i32
        %dma_start3A_74 = tpu.memref_slice %arg2[%dma_start3A_72, %dma_start3A_73] : memref<10000x128xf32, #tpu.memory_space<hbm>> -> memref<10000x128xf32, #tpu.memory_space<hbm>>
        tpu.enqueue_indirect_dma source(%dma_start3A_74 : memref<10000x128xf32, #tpu.memory_space<hbm>>) target(%arg11 : memref<100x128xf32, #tpu.memory_space<vmem>>) offsets(%dma_start3A_71 : memref<100xi32, #tpu.memory_space<vmem>>) semaphore(%arg15 : memref<!tpu.dma_semaphore, #tpu.memory_space<semaphore_mem>>)
        %dma_wait3A_75 = arith.constant 0 : i32
        %dma_wait3A_76 = tpu.memref_slice %arg7[%add3A_66, %dma_wait3A_75] : memref<20x100xi32, #tpu.memory_space<vmem>> -> memref<1x100xi32, #tpu.memory_space<vmem>>
        %dma_wait3A_77 = tpu.memref_squeeze %dma_wait3A_76 : memref<1x100xi32, #tpu.memory_space<vmem>> -> memref<100xi32, #tpu.memory_space<vmem>>
        %dma_wait3A_78 = arith.constant 0 : i32
        %dma_wait3A_79 = arith.constant 0 : i32
        %dma_wait3A_80 = tpu.memref_slice %arg2[%dma_wait3A_78, %dma_wait3A_79] : memref<10000x128xf32, #tpu.memory_space<hbm>> -> memref<10000x128xf32, #tpu.memory_space<hbm>>
        tpu.wait_indirect_dma semaphore(%arg13 : memref<!tpu.dma_semaphore, #tpu.memory_space<semaphore_mem>>) src(%dma_wait3A_80 : memref<10000x128xf32, #tpu.memory_space<hbm>>) dst(%arg9 : memref<100x128xf32, #tpu.memory_space<vmem>>)
        "tpu.region"() ({
          %run_scoped3A_117 = tpu.sem_alloc : memref<!tpu.dma_semaphore, #tpu.memory_space<semaphore_mem>>
          %dma_start3A_118 = arith.constant 0 : i32
          %dma_start3A_119 = tpu.memref_slice %arg8[%add3A_66, %dma_start3A_118] : memref<20x100xi32, #tpu.memory_space<vmem>> -> memref<1x100xi32, #tpu.memory_space<vmem>>
          %dma_start3A_120 = tpu.memref_squeeze %dma_start3A_119 : memref<1x100xi32, #tpu.memory_space<vmem>> -> memref<100xi32, #tpu.memory_space<vmem>>
          %dma_start3A_121 = arith.constant 0 : i32
          %dma_start3A_122 = arith.constant 0 : i32
          %dma_start3A_123 = tpu.memref_slice %arg12[%dma_start3A_121, %dma_start3A_122] : memref<10000x128xf32, #tpu.memory_space<vmem_shared>> -> memref<10000x128xf32, #tpu.memory_space<vmem_shared>>
          tpu.enqueue_indirect_dma source(%arg9 : memref<100x128xf32, #tpu.memory_space<vmem>>) target(%dma_start3A_123 : memref<10000x128xf32, #tpu.memory_space<vmem_shared>>) offsets(%dma_start3A_120 : memref<100xi32, #tpu.memory_space<vmem>>) semaphore(%run_scoped3A_117 : memref<!tpu.dma_semaphore, #tpu.memory_space<semaphore_mem>>) {add = true}
          %dma_wait3A_124 = arith.constant 0 : i32
          %dma_wait3A_125 = tpu.memref_slice %arg8[%add3A_66, %dma_wait3A_124] : memref<20x100xi32, #tpu.memory_space<vmem>> -> memref<1x100xi32, #tpu.memory_space<vmem>>
          %dma_wait3A_126 = tpu.memref_squeeze %dma_wait3A_125 : memref<1x100xi32, #tpu.memory_space<vmem>> -> memref<100xi32, #tpu.memory_space<vmem>>
          %dma_wait3A_127 = arith.constant 0 : i32
          %dma_wait3A_128 = arith.constant 0 : i32
          %dma_wait3A_129 = tpu.memref_slice %arg12[%dma_wait3A_127, %dma_wait3A_128] : memref<10000x128xf32, #tpu.memory_space<vmem_shared>> -> memref<10000x128xf32, #tpu.memory_space<vmem_shared>>
          tpu.wait_indirect_dma semaphore(%run_scoped3A_117 : memref<!tpu.dma_semaphore, #tpu.memory_space<semaphore_mem>>) src(%arg9 : memref<100x128xf32, #tpu.memory_space<vmem>>) dst(%dma_wait3A_129 : memref<10000x128xf32, #tpu.memory_space<vmem_shared>>)
          tpu.yield
        }) : () -> ()
        %add3A_81 = arith.constant 3 : i32
        %add3A_82 = arith.addi %add3A_66, %add3A_81 : i32
        %dma_start3A_83 = arith.constant 0 : i32
        %dma_start3A_84 = tpu.memref_slice %arg7[%add3A_82, %dma_start3A_83] : memref<20x100xi32, #tpu.memory_space<vmem>> -> memref<1x100xi32, #tpu.memory_space<vmem>>
        %dma_start3A_85 = tpu.memref_squeeze %dma_start3A_84 : memref<1x100xi32, #tpu.memory_space<vmem>> -> memref<100xi32, #tpu.memory_space<vmem>>
        %dma_start3A_86 = arith.constant 0 : i32
        %dma_start3A_87 = arith.constant 0 : i32
        %dma_start3A_88 = tpu.memref_slice %arg2[%dma_start3A_86, %dma_start3A_87] : memref<10000x128xf32, #tpu.memory_space<hbm>> -> memref<10000x128xf32, #tpu.memory_space<hbm>>
        tpu.enqueue_indirect_dma source(%dma_start3A_88 : memref<10000x128xf32, #tpu.memory_space<hbm>>) target(%arg9 : memref<100x128xf32, #tpu.memory_space<vmem>>) offsets(%dma_start3A_85 : memref<100xi32, #tpu.memory_space<vmem>>) semaphore(%arg13 : memref<!tpu.dma_semaphore, #tpu.memory_space<semaphore_mem>>)
        %add3A_89 = arith.constant 1 : i32
        %add3A_90 = arith.addi %add3A_66, %add3A_89 : i32
        %dma_wait3A_91 = arith.constant 0 : i32
        %dma_wait3A_92 = tpu.memref_slice %arg7[%add3A_90, %dma_wait3A_91] : memref<20x100xi32, #tpu.memory_space<vmem>> -> memref<1x100xi32, #tpu.memory_space<vmem>>
        %dma_wait3A_93 = tpu.memref_squeeze %dma_wait3A_92 : memref<1x100xi32, #tpu.memory_space<vmem>> -> memref<100xi32, #tpu.memory_space<vmem>>
        %dma_wait3A_94 = arith.constant 0 : i32
        %dma_wait3A_95 = arith.constant 0 : i32
        %dma_wait3A_96 = tpu.memref_slice %arg2[%dma_wait3A_94, %dma_wait3A_95] : memref<10000x128xf32, #tpu.memory_space<hbm>> -> memref<10000x128xf32, #tpu.memory_space<hbm>>
        tpu.wait_indirect_dma semaphore(%arg14 : memref<!tpu.dma_semaphore, #tpu.memory_space<semaphore_mem>>) src(%dma_wait3A_96 : memref<10000x128xf32, #tpu.memory_space<hbm>>) dst(%arg10 : memref<100x128xf32, #tpu.memory_space<vmem>>)
        %add3A_97 = arith.constant 1 : i32
        %add3A_98 = arith.addi %add3A_66, %add3A_97 : i32
        "tpu.region"() ({
          %run_scoped3A_117 = tpu.sem_alloc : memref<!tpu.dma_semaphore, #tpu.memory_space<semaphore_mem>>
          %dma_start3A_118 = arith.constant 0 : i32
          %dma_start3A_119 = tpu.memref_slice %arg8[%add3A_98, %dma_start3A_118] : memref<20x100xi32, #tpu.memory_space<vmem>> -> memref<1x100xi32, #tpu.memory_space<vmem>>
          %dma_start3A_120 = tpu.memref_squeeze %dma_start3A_119 : memref<1x100xi32, #tpu.memory_space<vmem>> -> memref<100xi32, #tpu.memory_space<vmem>>
          %dma_start3A_121 = arith.constant 0 : i32
          %dma_start3A_122 = arith.constant 0 : i32
          %dma_start3A_123 = tpu.memref_slice %arg12[%dma_start3A_121, %dma_start3A_122] : memref<10000x128xf32, #tpu.memory_space<vmem_shared>> -> memref<10000x128xf32, #tpu.memory_space<vmem_shared>>
          tpu.enqueue_indirect_dma source(%arg10 : memref<100x128xf32, #tpu.memory_space<vmem>>) target(%dma_start3A_123 : memref<10000x128xf32, #tpu.memory_space<vmem_shared>>) offsets(%dma_start3A_120 : memref<100xi32, #tpu.memory_space<vmem>>) semaphore(%run_scoped3A_117 : memref<!tpu.dma_semaphore, #tpu.memory_space<semaphore_mem>>) {add = true}
          %dma_wait3A_124 = arith.constant 0 : i32
          %dma_wait3A_125 = tpu.memref_slice %arg8[%add3A_98, %dma_wait3A_124] : memref<20x100xi32, #tpu.memory_space<vmem>> -> memref<1x100xi32, #tpu.memory_space<vmem>>
          %dma_wait3A_126 = tpu.memref_squeeze %dma_wait3A_125 : memref<1x100xi32, #tpu.memory_space<vmem>> -> memref<100xi32, #tpu.memory_space<vmem>>
          %dma_wait3A_127 = arith.constant 0 : i32
          %dma_wait3A_128 = arith.constant 0 : i32
          %dma_wait3A_129 = tpu.memref_slice %arg12[%dma_wait3A_127, %dma_wait3A_128] : memref<10000x128xf32, #tpu.memory_space<vmem_shared>> -> memref<10000x128xf32, #tpu.memory_space<vmem_shared>>
          tpu.wait_indirect_dma semaphore(%run_scoped3A_117 : memref<!tpu.dma_semaphore, #tpu.memory_space<semaphore_mem>>) src(%arg10 : memref<100x128xf32, #tpu.memory_space<vmem>>) dst(%dma_wait3A_129 : memref<10000x128xf32, #tpu.memory_space<vmem_shared>>)
          tpu.yield
        }) : () -> ()
        %add3A_99 = arith.constant 4 : i32
        %add3A_100 = arith.addi %add3A_66, %add3A_99 : i32
        %dma_start3A_101 = arith.constant 0 : i32
        %dma_start3A_102 = tpu.memref_slice %arg7[%add3A_100, %dma_start3A_101] : memref<20x100xi32, #tpu.memory_space<vmem>> -> memref<1x100xi32, #tpu.memory_space<vmem>>
        %dma_start3A_103 = tpu.memref_squeeze %dma_start3A_102 : memref<1x100xi32, #tpu.memory_space<vmem>> -> memref<100xi32, #tpu.memory_space<vmem>>
        %dma_start3A_104 = arith.constant 0 : i32
        %dma_start3A_105 = arith.constant 0 : i32
        %dma_start3A_106 = tpu.memref_slice %arg2[%dma_start3A_104, %dma_start3A_105] : memref<10000x128xf32, #tpu.memory_space<hbm>> -> memref<10000x128xf32, #tpu.memory_space<hbm>>
        tpu.enqueue_indirect_dma source(%dma_start3A_106 : memref<10000x128xf32, #tpu.memory_space<hbm>>) target(%arg10 : memref<100x128xf32, #tpu.memory_space<vmem>>) offsets(%dma_start3A_103 : memref<100xi32, #tpu.memory_space<vmem>>) semaphore(%arg14 : memref<!tpu.dma_semaphore, #tpu.memory_space<semaphore_mem>>)
        %add3A_107 = arith.constant 2 : i32
        %add3A_108 = arith.addi %add3A_66, %add3A_107 : i32
        %dma_wait3A_109 = arith.constant 0 : i32
        %dma_wait3A_110 = tpu.memref_slice %arg7[%add3A_108, %dma_wait3A_109] : memref<20x100xi32, #tpu.memory_space<vmem>> -> memref<1x100xi32, #tpu.memory_space<vmem>>
        %dma_wait3A_111 = tpu.memref_squeeze %dma_wait3A_110 : memref<1x100xi32, #tpu.memory_space<vmem>> -> memref<100xi32, #tpu.memory_space<vmem>>
        %dma_wait3A_112 = arith.constant 0 : i32
        %dma_wait3A_113 = arith.constant 0 : i32
        %dma_wait3A_114 = tpu.memref_slice %arg2[%dma_wait3A_112, %dma_wait3A_113] : memref<10000x128xf32, #tpu.memory_space<hbm>> -> memref<10000x128xf32, #tpu.memory_space<hbm>>
        tpu.wait_indirect_dma semaphore(%arg15 : memref<!tpu.dma_semaphore, #tpu.memory_space<semaphore_mem>>) src(%dma_wait3A_114 : memref<10000x128xf32, #tpu.memory_space<hbm>>) dst(%arg11 : memref<100x128xf32, #tpu.memory_space<vmem>>)
        %add3A_115 = arith.constant 2 : i32
        %add3A_116 = arith.addi %add3A_66, %add3A_115 : i32
        "tpu.region"() ({
          %run_scoped3A_117 = tpu.sem_alloc : memref<!tpu.dma_semaphore, #tpu.memory_space<semaphore_mem>>
          %dma_start3A_118 = arith.constant 0 : i32
          %dma_start3A_119 = tpu.memref_slice %arg8[%add3A_116, %dma_start3A_118] : memref<20x100xi32, #tpu.memory_space<vmem>> -> memref<1x100xi32, #tpu.memory_space<vmem>>
          %dma_start3A_120 = tpu.memref_squeeze %dma_start3A_119 : memref<1x100xi32, #tpu.memory_space<vmem>> -> memref<100xi32, #tpu.memory_space<vmem>>
          %dma_start3A_121 = arith.constant 0 : i32
          %dma_start3A_122 = arith.constant 0 : i32
          %dma_start3A_123 = tpu.memref_slice %arg12[%dma_start3A_121, %dma_start3A_122] : memref<10000x128xf32, #tpu.memory_space<vmem_shared>> -> memref<10000x128xf32, #tpu.memory_space<vmem_shared>>
          tpu.enqueue_indirect_dma source(%arg11 : memref<100x128xf32, #tpu.memory_space<vmem>>) target(%dma_start3A_123 : memref<10000x128xf32, #tpu.memory_space<vmem_shared>>) offsets(%dma_start3A_120 : memref<100xi32, #tpu.memory_space<vmem>>) semaphore(%run_scoped3A_117 : memref<!tpu.dma_semaphore, #tpu.memory_space<semaphore_mem>>) {add = true}
          %dma_wait3A_124 = arith.constant 0 : i32
          %dma_wait3A_125 = tpu.memref_slice %arg8[%add3A_116, %dma_wait3A_124] : memref<20x100xi32, #tpu.memory_space<vmem>> -> memref<1x100xi32, #tpu.memory_space<vmem>>
          %dma_wait3A_126 = tpu.memref_squeeze %dma_wait3A_125 : memref<1x100xi32, #tpu.memory_space<vmem>> -> memref<100xi32, #tpu.memory_space<vmem>>
          %dma_wait3A_127 = arith.constant 0 : i32
          %dma_wait3A_128 = arith.constant 0 : i32
          %dma_wait3A_129 = tpu.memref_slice %arg12[%dma_wait3A_127, %dma_wait3A_128] : memref<10000x128xf32, #tpu.memory_space<vmem_shared>> -> memref<10000x128xf32, #tpu.memory_space<vmem_shared>>
          tpu.wait_indirect_dma semaphore(%run_scoped3A_117 : memref<!tpu.dma_semaphore, #tpu.memory_space<semaphore_mem>>) src(%arg11 : memref<100x128xf32, #tpu.memory_space<vmem>>) dst(%dma_wait3A_129 : memref<10000x128xf32, #tpu.memory_space<vmem_shared>>)
          tpu.yield
        }) : () -> ()
      }
      %scan3A_46 = arith.constant 6 : i32
      %dma_wait3A = arith.constant 18 : i32
      %dma_wait3A_47 = arith.constant 0 : i32
      %dma_wait3A_48 = tpu.memref_slice %arg7[%dma_wait3A, %dma_wait3A_47] : memref<20x100xi32, #tpu.memory_space<vmem>> -> memref<1x100xi32, #tpu.memory_space<vmem>>
      %dma_wait3A_49 = tpu.memref_squeeze %dma_wait3A_48 : memref<1x100xi32, #tpu.memory_space<vmem>> -> memref<100xi32, #tpu.memory_space<vmem>>
      %dma_wait3A_50 = arith.constant 0 : i32
      %dma_wait3A_51 = arith.constant 0 : i32
      %dma_wait3A_52 = tpu.memref_slice %arg2[%dma_wait3A_50, %dma_wait3A_51] : memref<10000x128xf32, #tpu.memory_space<hbm>> -> memref<10000x128xf32, #tpu.memory_space<hbm>>
      tpu.wait_indirect_dma semaphore(%arg13 : memref<!tpu.dma_semaphore, #tpu.memory_space<semaphore_mem>>) src(%dma_wait3A_52 : memref<10000x128xf32, #tpu.memory_space<hbm>>) dst(%arg9 : memref<100x128xf32, #tpu.memory_space<vmem>>)
      %run_scoped3A_53 = arith.constant 18 : i32
      "tpu.region"() ({
        %run_scoped3A_62 = tpu.sem_alloc : memref<!tpu.dma_semaphore, #tpu.memory_space<semaphore_mem>>
        %dma_start3A_63 = arith.constant 0 : i32
        %dma_start3A_64 = tpu.memref_slice %arg8[%run_scoped3A_53, %dma_start3A_63] : memref<20x100xi32, #tpu.memory_space<vmem>> -> memref<1x100xi32, #tpu.memory_space<vmem>>
        %dma_start3A_65 = tpu.memref_squeeze %dma_start3A_64 : memref<1x100xi32, #tpu.memory_space<vmem>> -> memref<100xi32, #tpu.memory_space<vmem>>
        %dma_start3A_66 = arith.constant 0 : i32
        %dma_start3A_67 = arith.constant 0 : i32
        %dma_start3A_68 = tpu.memref_slice %arg12[%dma_start3A_66, %dma_start3A_67] : memref<10000x128xf32, #tpu.memory_space<vmem_shared>> -> memref<10000x128xf32, #tpu.memory_space<vmem_shared>>
        tpu.enqueue_indirect_dma source(%arg9 : memref<100x128xf32, #tpu.memory_space<vmem>>) target(%dma_start3A_68 : memref<10000x128xf32, #tpu.memory_space<vmem_shared>>) offsets(%dma_start3A_65 : memref<100xi32, #tpu.memory_space<vmem>>) semaphore(%run_scoped3A_62 : memref<!tpu.dma_semaphore, #tpu.memory_space<semaphore_mem>>) {add = true}
        %dma_wait3A_69 = arith.constant 0 : i32
        %dma_wait3A_70 = tpu.memref_slice %arg8[%run_scoped3A_53, %dma_wait3A_69] : memref<20x100xi32, #tpu.memory_space<vmem>> -> memref<1x100xi32, #tpu.memory_space<vmem>>
        %dma_wait3A_71 = tpu.memref_squeeze %dma_wait3A_70 : memref<1x100xi32, #tpu.memory_space<vmem>> -> memref<100xi32, #tpu.memory_space<vmem>>
        %dma_wait3A_72 = arith.constant 0 : i32
        %dma_wait3A_73 = arith.constant 0 : i32
        %dma_wait3A_74 = tpu.memref_slice %arg12[%dma_wait3A_72, %dma_wait3A_73] : memref<10000x128xf32, #tpu.memory_space<vmem_shared>> -> memref<10000x128xf32, #tpu.memory_space<vmem_shared>>
        tpu.wait_indirect_dma semaphore(%run_scoped3A_62 : memref<!tpu.dma_semaphore, #tpu.memory_space<semaphore_mem>>) src(%arg9 : memref<100x128xf32, #tpu.memory_space<vmem>>) dst(%dma_wait3A_74 : memref<10000x128xf32, #tpu.memory_space<vmem_shared>>)
        tpu.yield
      }) : () -> ()
      %dma_wait3A_54 = arith.constant 19 : i32
      %dma_wait3A_55 = arith.constant 0 : i32
      %dma_wait3A_56 = tpu.memref_slice %arg7[%dma_wait3A_54, %dma_wait3A_55] : memref<20x100xi32, #tpu.memory_space<vmem>> -> memref<1x100xi32, #tpu.memory_space<vmem>>
      %dma_wait3A_57 = tpu.memref_squeeze %dma_wait3A_56 : memref<1x100xi32, #tpu.memory_space<vmem>> -> memref<100xi32, #tpu.memory_space<vmem>>
      %dma_wait3A_58 = arith.constant 0 : i32
      %dma_wait3A_59 = arith.constant 0 : i32
      %dma_wait3A_60 = tpu.memref_slice %arg2[%dma_wait3A_58, %dma_wait3A_59] : memref<10000x128xf32, #tpu.memory_space<hbm>> -> memref<10000x128xf32, #tpu.memory_space<hbm>>
      tpu.wait_indirect_dma semaphore(%arg14 : memref<!tpu.dma_semaphore, #tpu.memory_space<semaphore_mem>>) src(%dma_wait3A_60 : memref<10000x128xf32, #tpu.memory_space<hbm>>) dst(%arg10 : memref<100x128xf32, #tpu.memory_space<vmem>>)
      %run_scoped3A_61 = arith.constant 19 : i32
      "tpu.region"() ({
        %run_scoped3A_62 = tpu.sem_alloc : memref<!tpu.dma_semaphore, #tpu.memory_space<semaphore_mem>>
        %dma_start3A_63 = arith.constant 0 : i32
        %dma_start3A_64 = tpu.memref_slice %arg8[%run_scoped3A_61, %dma_start3A_63] : memref<20x100xi32, #tpu.memory_space<vmem>> -> memref<1x100xi32, #tpu.memory_space<vmem>>
        %dma_start3A_65 = tpu.memref_squeeze %dma_start3A_64 : memref<1x100xi32, #tpu.memory_space<vmem>> -> memref<100xi32, #tpu.memory_space<vmem>>
        %dma_start3A_66 = arith.constant 0 : i32
        %dma_start3A_67 = arith.constant 0 : i32
        %dma_start3A_68 = tpu.memref_slice %arg12[%dma_start3A_66, %dma_start3A_67] : memref<10000x128xf32, #tpu.memory_space<vmem_shared>> -> memref<10000x128xf32, #tpu.memory_space<vmem_shared>>
        tpu.enqueue_indirect_dma source(%arg10 : memref<100x128xf32, #tpu.memory_space<vmem>>) target(%dma_start3A_68 : memref<10000x128xf32, #tpu.memory_space<vmem_shared>>) offsets(%dma_start3A_65 : memref<100xi32, #tpu.memory_space<vmem>>) semaphore(%run_scoped3A_62 : memref<!tpu.dma_semaphore, #tpu.memory_space<semaphore_mem>>) {add = true}
        %dma_wait3A_69 = arith.constant 0 : i32
        %dma_wait3A_70 = tpu.memref_slice %arg8[%run_scoped3A_61, %dma_wait3A_69] : memref<20x100xi32, #tpu.memory_space<vmem>> -> memref<1x100xi32, #tpu.memory_space<vmem>>
        %dma_wait3A_71 = tpu.memref_squeeze %dma_wait3A_70 : memref<1x100xi32, #tpu.memory_space<vmem>> -> memref<100xi32, #tpu.memory_space<vmem>>
        %dma_wait3A_72 = arith.constant 0 : i32
        %dma_wait3A_73 = arith.constant 0 : i32
        %dma_wait3A_74 = tpu.memref_slice %arg12[%dma_wait3A_72, %dma_wait3A_73] : memref<10000x128xf32, #tpu.memory_space<vmem_shared>> -> memref<10000x128xf32, #tpu.memory_space<vmem_shared>>
        tpu.wait_indirect_dma semaphore(%run_scoped3A_62 : memref<!tpu.dma_semaphore, #tpu.memory_space<semaphore_mem>>) src(%arg10 : memref<100x128xf32, #tpu.memory_space<vmem>>) dst(%dma_wait3A_74 : memref<10000x128xf32, #tpu.memory_space<vmem_shared>>)
        tpu.yield
      }) : () -> ()
    }
    %scan3A_22 = arith.constant 5 : i32
    %barrier3A_23 = arith.constant 0 : index
    tpu.barrier barrier_id(%barrier3A_23)
    %mul3A_24 = arith.constant 624 : i32
    %mul3A_25 = arith.muli %arg1, %mul3A_24 : i32
    %mul3A_26 = arith.constant 624 : i32
    %mul3A_27 = arith.muli %arg1, %mul3A_26 : i32
    "tpu.region"() ({
      %run_scoped3A_33 = tpu.sem_alloc : memref<!tpu.dma_semaphore, #tpu.memory_space<semaphore_mem>>
      %dma_start3A_34 = arith.constant 0 : i32
      %dma_start3A_35 = tpu.memref_slice %arg6[%arg0, %mul3A_27, %dma_start3A_34] : memref<2x10000x128xf32, #tpu.memory_space<hbm>> -> memref<1x624x128xf32, #tpu.memory_space<hbm>>
      %dma_start3A_36 = tpu.memref_squeeze %dma_start3A_35 : memref<1x624x128xf32, #tpu.memory_space<hbm>> -> memref<624x128xf32, #tpu.memory_space<hbm>>
      %dma_start3A_37 = arith.constant 0 : i32
      %dma_start3A_38 = tpu.memref_slice %arg12[%mul3A_25, %dma_start3A_37] : memref<10000x128xf32, #tpu.memory_space<vmem_shared>> -> memref<624x128xf32, #tpu.memory_space<vmem_shared>>
      tpu.enqueue_dma source(%dma_start3A_38 : memref<624x128xf32, #tpu.memory_space<vmem_shared>>) target(%dma_start3A_36 : memref<624x128xf32, #tpu.memory_space<hbm>>) target_semaphore(%run_scoped3A_33 : memref<!tpu.dma_semaphore, #tpu.memory_space<semaphore_mem>>)
      %dma_wait3A = arith.constant 0 : i32
      %dma_wait3A_39 = tpu.memref_slice %arg6[%arg0, %mul3A_27, %dma_wait3A] : memref<2x10000x128xf32, #tpu.memory_space<hbm>> -> memref<1x624x128xf32, #tpu.memory_space<hbm>>
      %dma_wait3A_40 = tpu.memref_squeeze %dma_wait3A_39 : memref<1x624x128xf32, #tpu.memory_space<hbm>> -> memref<624x128xf32, #tpu.memory_space<hbm>>
      %dma_wait3A_41 = arith.constant 0 : i32
      %dma_wait3A_42 = tpu.memref_slice %arg12[%mul3A_25, %dma_wait3A_41] : memref<10000x128xf32, #tpu.memory_space<vmem_shared>> -> memref<624x128xf32, #tpu.memory_space<vmem_shared>>
      tpu.wait_dma2 semaphore(%run_scoped3A_33 : memref<!tpu.dma_semaphore, #tpu.memory_space<semaphore_mem>>) src(%dma_wait3A_42 : memref<624x128xf32, #tpu.memory_space<vmem_shared>>) dst(%dma_wait3A_40 : memref<624x128xf32, #tpu.memory_space<hbm>>)
      tpu.yield
    }) : () -> ()
    %eq3A_28 = arith.constant 0 : i32
    %eq3A_29 = arith.cmpi eq, %arg1, %eq3A_28 : i32
    %convert_element_type3A_30 = arith.extui %eq3A_29 : i1 to i32
    %cond3A_31 = arith.constant 0 : i32
    %cond3A_32 = arith.cmpi ne, %convert_element_type3A_30, %cond3A_31 : i32
    scf.if %cond3A_32 {
      "tpu.region"() ({
        %run_scoped3A_33 = tpu.sem_alloc : memref<!tpu.dma_semaphore, #tpu.memory_space<semaphore_mem>>
        %dma_start3A_34 = arith.constant 9984 : i32
        %dma_start3A_35 = arith.constant 0 : i32
        %dma_start3A_36 = tpu.memref_slice %arg6[%arg0, %dma_start3A_34, %dma_start3A_35] : memref<2x10000x128xf32, #tpu.memory_space<hbm>> -> memref<1x16x128xf32, #tpu.memory_space<hbm>>
        %dma_start3A_37 = tpu.memref_squeeze %dma_start3A_36 : memref<1x16x128xf32, #tpu.memory_space<hbm>> -> memref<16x128xf32, #tpu.memory_space<hbm>>
        %dma_start3A_38 = arith.constant 9984 : i32
        %dma_start3A_39 = arith.constant 0 : i32
        %dma_start3A_40 = tpu.memref_slice %arg12[%dma_start3A_38, %dma_start3A_39] : memref<10000x128xf32, #tpu.memory_space<vmem_shared>> -> memref<16x128xf32, #tpu.memory_space<vmem_shared>>
        tpu.enqueue_dma source(%dma_start3A_40 : memref<16x128xf32, #tpu.memory_space<vmem_shared>>) target(%dma_start3A_37 : memref<16x128xf32, #tpu.memory_space<hbm>>) target_semaphore(%run_scoped3A_33 : memref<!tpu.dma_semaphore, #tpu.memory_space<semaphore_mem>>)
        %dma_wait3A = arith.constant 9984 : i32
        %dma_wait3A_41 = arith.constant 0 : i32
        %dma_wait3A_42 = tpu.memref_slice %arg6[%arg0, %dma_wait3A, %dma_wait3A_41] : memref<2x10000x128xf32, #tpu.memory_space<hbm>> -> memref<1x16x128xf32, #tpu.memory_space<hbm>>
        %dma_wait3A_43 = tpu.memref_squeeze %dma_wait3A_42 : memref<1x16x128xf32, #tpu.memory_space<hbm>> -> memref<16x128xf32, #tpu.memory_space<hbm>>
        %dma_wait3A_44 = arith.constant 9984 : i32
        %dma_wait3A_45 = arith.constant 0 : i32
        %dma_wait3A_46 = tpu.memref_slice %arg12[%dma_wait3A_44, %dma_wait3A_45] : memref<10000x128xf32, #tpu.memory_space<vmem_shared>> -> memref<16x128xf32, #tpu.memory_space<vmem_shared>>
        tpu.wait_dma2 semaphore(%run_scoped3A_33 : memref<!tpu.dma_semaphore, #tpu.memory_space<semaphore_mem>>) src(%dma_wait3A_46 : memref<16x128xf32, #tpu.memory_space<vmem_shared>>) dst(%dma_wait3A_43 : memref<16x128xf32, #tpu.memory_space<hbm>>)
        tpu.yield
      }) : () -> ()
    } else {
    }
    return
  }
}

module attributes {stable_mosaic.version = 14 : i64} {
  func.func @body(%arg0: i32, %arg1: memref<1000x128xf32, #tpu.memory_space<vmem>>, %arg2: memref<1000x1xf32, #tpu.memory_space<vmem>>, %arg3: memref<128x128xf32, #tpu.memory_space<vmem>>, %arg4: memref<1000x128xf32, #tpu.memory_space<vmem>>) attributes {dimension_semantics = [#tpu.dimension_semantics<arbitrary>], iteration_bounds = array<i64: 10>, scalar_prefetch = 0 : i64, scratch_operands = 0 : i64, tpu.core_type = #tpu.core_type<tc>, window_params = [{transform_indices = @transform_0, window_bounds = array<i64: 1000, 128>}, {transform_indices = @transform_1, window_bounds = array<i64: 1000, 1>}, {pipeline_mode = #tpu.pipeline_mode<synchronous>, transform_indices = @transform_2, window_bounds = array<i64: 128, 128>}, {transform_indices = @transform_3, window_bounds = array<i64: 1000, 128>}]} {
    %get3A = arith.constant 0 : index
    %get3A_0 = arith.constant 0 : index
    %get3A_1 = vector.load %arg1[%get3A, %get3A_0] : memref<1000x128xf32, #tpu.memory_space<vmem>>, vector<1000x128xf32>
    %get3A_2 = arith.constant 0 : index
    %get3A_3 = arith.constant 0 : index
    %get3A_4 = vector.load %arg2[%get3A_2, %get3A_3] : memref<1000x1xf32, #tpu.memory_space<vmem>>, vector<1000x1xf32>
    %mul3A = vector.broadcast %get3A_4 : vector<1000x1xf32> to vector<1000x128xf32>
    %mul3A_5 = arith.mulf %get3A_1, %mul3A : vector<1000x128xf32>
    %get3A_6 = arith.constant 0 : index
    %get3A_7 = arith.constant 0 : index
    %get3A_8 = vector.load %arg3[%get3A_6, %get3A_7] : memref<128x128xf32, #tpu.memory_space<vmem>>, vector<128x128xf32>
    %dot_general3A = arith.constant dense<0.000000e+00> : vector<1000x128xf32>
    %dot_general3A_9 = tpu.matmul %mul3A_5, %get3A_8, %dot_general3A {dimension_numbers = #tpu.dot_dimension_numbers<[1], [0], [0], [1], [0, 0, 1, 1], [], []>, transpose_lhs_hint = false} : vector<1000x128xf32>, vector<128x128xf32>, vector<1000x128xf32> -> vector<1000x128xf32>
    %swap3A = arith.constant 0 : index
    %swap3A_10 = arith.constant 0 : index
    %swap3A_11 = vector.load %arg4[%swap3A, %swap3A_10] : memref<1000x128xf32, #tpu.memory_space<vmem>>, vector<1000x128xf32>
    tpu.vector_store %arg4[%swap3A, %swap3A_10], %dot_general3A_9 {strides = array<i32>} : memref<1000x128xf32, #tpu.memory_space<vmem>>, vector<1000x128xf32>,
    return
  }
  func.func @transform_0(%arg0: i32) -> (i32, i32) {
    %c0_i32 = arith.constant 0 : i32
    %c0_i32_0 = arith.constant 0 : i32
    return %arg0, %c0_i32 : i32, i32
  }
  func.func @transform_1(%arg0: i32) -> (i32, i32) {
    %c0_i32 = arith.constant 0 : i32
    %c0_i32_0 = arith.constant 0 : i32
    return %arg0, %c0_i32 : i32, i32
  }
  func.func @transform_2(%arg0: i32) -> (i32, i32) {
    %c0_i32 = arith.constant 0 : i32
    %c0_i32_0 = arith.constant 0 : i32
    %c0_i32_1 = arith.constant 0 : i32
    return %c0_i32, %c0_i32_0 : i32, i32
  }
  func.func @transform_3(%arg0: i32) -> (i32, i32) {
    %c0_i32 = arith.constant 0 : i32
    %c0_i32_0 = arith.constant 0 : i32
    return %arg0, %c0_i32 : i32, i32
  }
}

module attributes {stable_mosaic.version = 14 : i64} {
  func.func @body(%arg0: i32, %arg1: memref<2x1000x128xf32, #tpu.memory_space<vmem>>, %arg2: memref<1000x1xf32, #tpu.memory_space<vmem>>, %arg3: memref<1x128xf32, #tpu.memory_space<vmem>>, %arg4: memref<1000x128xf32, #tpu.memory_space<vmem>>) attributes {dimension_semantics = [#tpu.dimension_semantics<arbitrary>], iteration_bounds = array<i64: 10>, scalar_prefetch = 0 : i64, scratch_operands = 0 : i64, tpu.core_type = #tpu.core_type<tc>, window_params = [{transform_indices = @transform_0, window_bounds = array<i64: 2, 1000, 128>}, {transform_indices = @transform_1, window_bounds = array<i64: 1000, 1>}, {pipeline_mode = #tpu.pipeline_mode<synchronous>, transform_indices = @transform_2, window_bounds = array<i64: 1, 128>}, {transform_indices = @transform_3, window_bounds = array<i64: 1000, 128>}]} {
    %get3A = arith.constant 0 : index
    %get3A_0 = arith.constant 0 : index
    %get3A_1 = arith.constant 0 : index
    %get3A_2 = vector.load %arg1[%get3A, %get3A_0, %get3A_1] : memref<2x1000x128xf32, #tpu.memory_space<vmem>>, vector<1x1000x128xf32>
    %get3A_3 = vector.shape_cast %get3A_2 : vector<1x1000x128xf32> to vector<1000x128xf32>
    %get3A_4 = arith.constant 1 : index
    %get3A_5 = arith.constant 0 : index
    %get3A_6 = arith.constant 0 : index
    %get3A_7 = vector.load %arg1[%get3A_4, %get3A_5, %get3A_6] : memref<2x1000x128xf32, #tpu.memory_space<vmem>>, vector<1x1000x128xf32>
    %get3A_8 = vector.shape_cast %get3A_7 : vector<1x1000x128xf32> to vector<1000x128xf32>
    %add3A = arith.addf %get3A_3, %get3A_8 : vector<1000x128xf32>
    %get3A_9 = arith.constant 0 : index
    %get3A_10 = arith.constant 0 : index
    %get3A_11 = vector.load %arg2[%get3A_9, %get3A_10] : memref<1000x1xf32, #tpu.memory_space<vmem>>, vector<1000x1xf32>
    %mul3A = vector.broadcast %get3A_11 : vector<1000x1xf32> to vector<1000x128xf32>
    %mul3A_12 = arith.mulf %add3A, %mul3A : vector<1000x128xf32>
    %get3A_13 = arith.constant 0 : index
    %get3A_14 = arith.constant 0 : index
    %get3A_15 = vector.load %arg3[%get3A_13, %get3A_14] : memref<1x128xf32, #tpu.memory_space<vmem>>, vector<1x128xf32>
    %add3A_16 = vector.broadcast %get3A_15 : vector<1x128xf32> to vector<1000x128xf32>
    %add3A_17 = arith.addf %mul3A_12, %add3A_16 : vector<1000x128xf32>
    %max3A = arith.constant 0.000000e+00 : f32
    %max3A_18 = vector.broadcast %max3A : f32 to vector<1000x128xf32>
    %max3A_19 = arith.maximumf %add3A_17, %max3A_18 : vector<1000x128xf32>
    %swap3A = arith.constant 0 : index
    %swap3A_20 = arith.constant 0 : index
    %swap3A_21 = vector.load %arg4[%swap3A, %swap3A_20] : memref<1000x128xf32, #tpu.memory_space<vmem>>, vector<1000x128xf32>
    tpu.vector_store %arg4[%swap3A, %swap3A_20], %max3A_19 {strides = array<i32>} : memref<1000x128xf32, #tpu.memory_space<vmem>>, vector<1000x128xf32>,
    return
  }
  func.func @transform_0(%arg0: i32) -> (i32, i32, i32) {
    %c0_i32 = arith.constant 0 : i32
    %c0_i32_0 = arith.constant 0 : i32
    %c0_i32_1 = arith.constant 0 : i32
    return %c0_i32, %arg0, %c0_i32_0 : i32, i32, i32
  }
  func.func @transform_1(%arg0: i32) -> (i32, i32) {
    %c0_i32 = arith.constant 0 : i32
    %c0_i32_0 = arith.constant 0 : i32
    return %arg0, %c0_i32 : i32, i32
  }
  func.func @transform_2(%arg0: i32) -> (i32, i32) {
    %c0_i32 = arith.constant 0 : i32
    %c0_i32_0 = arith.constant 0 : i32
    %c0_i32_1 = arith.constant 0 : i32
    return %c0_i32, %c0_i32_0 : i32, i32
  }
  func.func @transform_3(%arg0: i32) -> (i32, i32) {
    %c0_i32 = arith.constant 0 : i32
    %c0_i32_0 = arith.constant 0 : i32
    return %arg0, %c0_i32 : i32, i32
  }
}

</mosaic_0001>

<sc_bundles>
// kernel: kernel.5.cloned.1.call-start
scs
__scs_entry_jumppad:
0x0: {  	(pc) =	sbr.rel $0x88, $3  }
0x1: {  	(tag) =	ssettag $0x0;
	lr =	simm.s32 $0x1  }
0x2: {  	[smem:$0x3F9C] =	sst lr;
	_ =	strace $0xD0000000  }
0x3: {  	_ = 	snop  }
0x4: {  	_ = 	snop  }
0x5: {  	_ = 	snop  }
0x6: {  	_ = 	snop  }
0x7: {  	_ = 	snop  }
__scs_overlays_trampoline_lowered:
0x8: {  	[smem:$0x3FAB] =	sst s0  }
0x9: {  	[smem:$0x3FAC] =	sst s1  }
0xa: {  	[smem:$0x3FAD] =	sst s2  }
0xb: {  	[smem:$0x3FAE] =	sst s3  }
0xc: {  	[smem:$0x3FAF] =	sst s4  }
0xd: {  	[smem:$0x3FB0] =	sst s5  }
0xe: {  	[smem:$0x3FB1] =	sst s6  }
0xf: {  	[smem:$0x3FB2] =	sst s7  }
0x10: {  	[smem:$0x3FB3] =	sst s8  }
0x11: {  	[smem:$0x3FB4] =	sst s9;
	s0 =	simm.s32 @!p0 $0x0  }
0x12: {  	s1 =	sld [smem:$0x3F9A];
	s0 =	simm.s32 @p0 $0x1  }
0x13: {  	[smem:$0x3FB5] =	sst s0;
	s0 =	simm.s32 @!p1 $0x0  }
0x14: {  	s2 =	sld [smem:$0x3F99];
	s0 =	simm.s32 @p1 $0x1  }
0x15: {  	[smem:$0x3FB6] =	sst s0;
	s0 =	simm.s32 @!p2 $0x0  }
0x16: {  	s3 =	sld [smem:$0x3FDB];
	s0 =	simm.s32 @p2 $0x1  }
0x17: {  	s4 =	simm.s32 $0x1BF5;
	[smem:$0x3FB8] =	sst s0  }
0x18: {  	s0 =	sld [smem:$0x3F9B];
	_ =	swait.ge [sflag:s4], $0x0  }
0x19: {  	s7 =	sld [smem:$0x3F9C]  }
0x1a: {  	s8 =	sadd.s32 $0xFFFFE003, lr  }
0x1b: {  	s9 =	sadd.s32 $0xFFFFFEF7, lr;
	s5 =	simm.s32 $0xFFFFFFFF;
	p2 =	slt.u32 s8, $0xFFFFF086  }
0x1c: {  	p1 =	slt.u32 s9, $0xF7A;
	s5 =	simm.s32 @!p2 $0x0  }
0x1d: {  	s5 =	simm.s32 @p1 $0x1;
	p0 =	seq.s32 s7, s2  }
0x1e: {  	s7 =	smul.u32 @!p0 $0xF7A, s2;
	p2 =	seq.s32 @!p0 s5, $0x0  }
0x1f: {  	s9 =	smul.u32 $0xF7A, s1;
	s8 =	simm.s32 @!p0 $0x1BF5;
	p2 =	por !p2, p0  }
0x20: {  	[sflag:s8] =	ssyncset.s32 @!p0 $0xFFFFF086;
	s6 =	sadd.s32 @!p0 s3, s7;
	s7 =	simm.s32 @!p0 $0x108  }
0x21: {  	s3 =	sadd.s32 s3, s9;
	s6 =	sadd.s32 @!p0 $0x88, s6;
	s7 =	simm.s32 @p2 $0x1082  }
0x22: {  	[simem:s7], [sflag:s8] =	dma.local @!p0 [hbm:s6], $0xF7A  }
0x23: {  	s9 =	sor.u32 $0xD0000000, s2;
	s6 =	simm.s32 $0x108;
	_ =	swait.ge @!p0 [sflag:s8], $0x0  }
0x24: {  	s3 =	sadd.s32 $0x88, s3;
	s6 =	simm.s32 @!p1 $0x1082;
	[sflag:s4] =	ssyncset.s32 $0xFFFFF086  }
0x25: {  	[simem:s6], [sflag:s4] =	dma.local [hbm:s3], $0xF7A  }
0x26: {  	[smem:$0x3F9C] =	sst s1;
	(tag) =	ssettag s2;
	_ =	strace s9  }
0x27: {  	s1 =	sld [smem:$0x3FAC]  }
0x28: {  	s2 =	sld [smem:$0x3FAD]  }
0x29: {  	s4 =	sld [smem:$0x3FAF]  }
0x2a: {  	p0 =	seq.s32 s5, $0x0;
	s5 =	sld [smem:$0x3FB0]  }
0x2b: {  	s6 =	sld [smem:$0x3FB1]  }
0x2c: {  	s7 =	sld [smem:$0x3FB2]  }
0x2d: {  	s3 =	simm.s32 $0x108;
	s8 =	sld [smem:$0x3FB3]  }
0x2e: {  	s3 =	simm.s32 @!p0 $0x1082;
	s9 =	sld [smem:$0x3FB4]  }
0x2f: {  	lr =	sadd.s32 s0, s3;
	s0 =	sld [smem:$0x3FAB]  }
0x30: {  	s3 =	sld [smem:$0x3FAE]  }
0x31: {  	[smem:$0x3FB7] =	sst s10  }
0x32: {  	s10 =	sld [smem:$0x3FB5];
	_ =	sdelay $0x3  }
0x33: {  	p0 =	seq.s32 s10, $0x1;
	s10 =	sld [smem:$0x3FB7];
	_ =	sdelay $0x3  }
0x34: {  	[smem:$0x3FB7] =	sst s10  }
0x35: {  	s10 =	sld [smem:$0x3FB6];
	_ =	sdelay $0x3  }
0x36: {  	p1 =	seq.s32 s10, $0x1;
	s10 =	sld [smem:$0x3FB7];
	_ =	sdelay $0x3  }
0x37: {  	[smem:$0x3FB7] =	sst s10  }
0x38: {  	s10 =	sld [smem:$0x3FB8]  }
0x39: {  	_ = 	snop;
	(pc) =	sbr.ind lr, $3  }
0x3a: {  	_ = 	snop  }
0x3b: {  	_ = 	snop  }
0x3c: {  	p2 =	seq.s32 s10, $0x1;
	s10 =	sld [smem:$0x3FB7]  }
0x3d: {  	_ =	shalt  }
0x3e: {  	_ =	shalt  }
0x3f: {  	_ =	shalt  }
0x40: {  	_ =	shalt  }
0x41: {  	_ =	shalt  }
0x42: {  	_ =	shalt  }
0x43: {  	_ =	shalt  }
0x44: {  	_ =	shalt  }
0x45: {  	_ =	shalt  }
0x46: {  	_ =	shalt  }
0x47: {  	_ =	shalt  }
0x48: {  	_ =	shalt  }
0x49: {  	_ =	shalt  }
0x4a: {  	_ =	shalt  }
0x4b: {  	_ =	shalt  }
0x4c: {  	_ =	shalt  }
0x4d: {  	_ =	shalt  }
0x4e: {  	_ =	shalt  }
0x4f: {  	_ =	shalt  }
0x50: {  	_ =	shalt  }
0x51: {  	_ =	shalt  }
0x52: {  	_ =	shalt  }
0x53: {  	_ =	shalt  }
0x54: {  	_ =	shalt  }
0x55: {  	_ =	shalt  }
0x56: {  	_ =	shalt  }
0x57: {  	_ =	shalt  }
0x58: {  	_ =	shalt  }
0x59: {  	_ =	shalt  }
0x5a: {  	_ =	shalt  }
0x5b: {  	_ =	shalt  }
0x5c: {  	_ =	shalt  }
0x5d: {  	_ =	shalt  }
0x5e: {  	_ =	shalt  }
0x5f: {  	_ =	shalt  }
0x60: {  	_ =	shalt  }
0x61: {  	_ =	shalt  }
0x62: {  	_ =	shalt  }
0x63: {  	_ =	shalt  }
0x64: {  	_ =	shalt  }
0x65: {  	_ =	shalt  }
0x66: {  	_ =	shalt  }
0x67: {  	_ =	shalt  }
0x68: {  	_ =	shalt  }
0x69: {  	_ =	shalt  }
0x6a: {  	_ =	shalt  }
0x6b: {  	_ =	shalt  }
0x6c: {  	_ =	shalt  }
0x6d: {  	_ =	shalt  }
0x6e: {  	_ =	shalt  }
0x6f: {  	_ =	shalt  }
0x70: {  	_ =	shalt  }
0x71: {  	_ =	shalt  }
0x72: {  	_ =	shalt  }
0x73: {  	_ =	shalt  }
0x74: {  	_ =	shalt  }
0x75: {  	_ =	shalt  }
0x76: {  	_ =	shalt  }
0x77: {  	_ =	shalt  }
0x78: {  	_ =	shalt  }
0x79: {  	_ =	shalt  }
0x7a: {  	_ =	shalt  }
0x7b: {  	_ =	shalt  }
0x7c: {  	_ =	shalt  }
0x7d: {  	_ =	shalt  }
0x7e: {  	_ =	shalt  }
0x7f: {  	_ =	shalt  }
0x80: {  	_ =	shalt  }
0x81: {  	_ =	shalt  }
0x82: {  	_ =	shalt  }
0x83: {  	_ =	shalt  }
0x84: {  	_ =	shalt  }
0x85: {  	_ =	shalt  }
0x86: {  	_ =	shalt  }
0x87: {  	_ =	shalt  }
.Lfunc_end0:
.L_simem_size_0:
called_computation_lowered:
.L_overlay_start_0:
0x88: {  	s2 =	sld [smem:$0x3FD9]  }
0x89: {  	s3 =	sld [smem:$0x3FFE];
	_ =	sdelay $0x1  }
0x8a: {  	s1 =	srdreg.scid  }
0x8b: {  	s0 =	sand.u32 $0x1, s1  }
0x8c: {  	s17 =	sshll.u32 s0, $0xA;
	s2 =	sadd.s32 s3, s2  }
0x8d: {  	s2 =	sadd.s32 s2, s17  }
0x8e: {  	[smem:$0x3FC3] =	sst s2  }
0x8f: {  	_ = 	snop  }
0x90: {  	s2 =	sld [smem:$0x3FD0];
	(tm) =	ssettm $0x1  }
0x91: {  	s18 =	sld [smem:$0x3FFB];
	_ =	sdelay $0x3  }
0x92: {  	_ =	strace s18  }
0x93: {  	s3 =	sld [smem:$0x3FFC];
	_ =	sdelay $0x3  }
0x94: {  	_ =	strace s3  }
0x95: {  	s3 =	sld [smem:$0x3FFD];
	_ =	sdelay $0x3  }
0x96: {  	_ =	strace s3  }
0x97: {  	_ =	strace $0x8FFFFFFF  }
0x98: {  	s19 =	sld [smem:$0x3FDB];
	_ =	sdelay $0x1  }
0x99: {  	s4 =	simm.s32 $_scs_section_size  }
0x9a: {  	s5 =	simm.s32 $_size__tile_overlayer_lowered;
	s6 =	simm.s32 $_tile_overlayer_lowered  }
0x9b: {  	s22 =	simm.s32 $0x1BFF;
	s21 =	sshll.u32 s6, $0x1;
	s3 =	sadd.s32 s4, s19  }
0x9c: {  	s7 =	simm.s32 $0x0;
	s20 =	sshll.u32 s5, $0x1;
	s5 =	sadd.s32 s21, s3  }
0x9d: {  	[timem:s7], [sflag:s22] =	dma.local [hbm:s5], s20  }
0x9e: {  	_ =	swait.ge [sflag:s22], s20  }
0x9f: {  	s4 =	ssub.s32 $0x0, s20;
	[sflag:s22] =	ssyncset.done $0x0  }
0xa0: {  	[sflag:s22] =	ssyncadd.s32 s4;
	_ =	sdelay $0x1  }
0xa1: {  	s23 =	simm.s32 $0x1B8B  }
0xa2: {  	_ =	swait.ge [sflag:s23], $0x1  }
0xa3: {  	[sflag:s23] =	ssyncset.done $0x0  }
0xa4: {  	s25 =	simm.s32 $0x1B8E;
	s24 =	sld [smem:$0x3FFE];
	[sflag:s23] =	ssyncadd.s32 $0xFFFFFFFF  }
0xa5: {  	s26 =	simm.s32 $execute0_lowered;
	[smem:$0x3FD2] =	sst s25  }
0xa6: {  	s5 =	sshll.u32 s26, $0x1;
	_ =	strace $0x80000046;
	[dreg:$0x1] =	wrdreg $0xFFFFFFFF  }
0xa7: {  	s28 =	simm.s32 $_size_execute0_lowered;
	s3 =	sadd.s32 s3, s5;
	[dreg:$0x0] =	wrdreg $0x0  }
0xa8: {  	s5 =	sshll.u32 s28, $0x1;
	[dreg:$0x2] =	wrdreg s3  }
0xa9: {  	[dreg:$0x3] =	wrdreg s5  }
0xaa: {  	[dreg:$0x4] =	wrdreg $0xC0  }
0xab: {  	_ =	task [dreg:s7], $0x5FFFF  }
0xac: {  	[dreg:$0x1] =	wrdreg $0xFFFFFFFF  }
0xad: {  	[dreg:$0x0] =	wrdreg $0x60  }
0xae: {  	[dreg:$0x2] =	wrdreg s2  }
0xaf: {  	[dreg:$0x3] =	wrdreg s24  }
0xb0: {  	[dreg:$0x4] =	wrdreg $0xB4000  }
0xb1: {  	[dreg:$0x5] =	wrdreg $0x9  }
0xb2: {  	_ =	task.clear_ibuf [dreg:s7], $0x6FFFF;
	_ =	strace $0x90000046  }
0xb3: {  	s29 =	simm.s32 $0x9;
	_ =	strace $0x80000048  }
0xb4: {  	_ =	swait.ge [sflag:s29], $0x1  }
0xb5: {  	[sflag:s29] =	ssyncadd.s32 $0xFFFFFFFF  }
0xb6: {  	_ =	strace $0x90000048  }
0xb7: {  	_ =	sfence  }
0xb8: {  	s30 =	sld [smem:$0x0];
	_ =	sdelay $0x2  }
0xb9: {  	s31 =	sshll.u32 s1, $0xD;
	s1 =	sshrl.u32 s1, $0x2  }
0xba: {  	s3 =	sand.u32 $0x4000, s31;
	s1 =	sadd.s32 s1, s30  }
0xbb: {  	s0 =	sor.u32 s3, s0;
	s1 =	sshll.u32 s1, $0x11  }
0xbc: {  	s0 =	sor.u32 s1, s0  }
0xbd: {  	s0 =	sadd.s32 $0x8F2B, s0  }
0xbe: {  	[sflag:s0] =	ssyncadd.remote.s32 $0x1  }
0xbf: {  	_ =	sfence.sel $0xFFFF  }
0xc0: {  	[dreg:$0x0] =	wrdreg $0xFFFFFFFF;
	(pc) =	sbr.abs _section_cstart, $3  }
0xc1: {  	[dreg:$0x1] =	wrdreg $0xFFFFFFFF  }
0xc2: {  	_ =	task.clear_ibuf [dreg:s7], $0x2FFFF;
	_ =	strace $0x9FFFFFFF  }
0xc3: {  	(tm) =	ssettm $0x7FFFFFFF  }
tec
execute0_lowered:
.L_overlay_start_1:
0x0: {  	(tag) =	ssettag $0x1  }
0x1: {  	s1 =	rddreg [dreg:$0x0]  }
0x2: {  	s0 =	rddreg [dreg:$0x1]  }
0x3: {  	s2 =	rddreg [dreg:$0x2];
	s3 =	simm.s32 $0x0;
	s4 =	srdreg.scid  }
0x4: {  	s12 =	stileid.u32;
	s25 =	simm.s32 $0x100;
	s14 =	simm.s32 $0xC80  }
0x5: {  	s15 =	simm.s32 $0x200;
	s17 =	simm.s32 $0xD00;
	s19 =	simm.s32 $0x280  }
0x6: {  	s20 =	simm.s32 $0xD80;
	[smem:$0x7FF] =	sst s3;
	s21 =	sadd.s32 $0x1EE00, s0  }
0x7: {  	s28 =	simm.s32 $0x1380;
	_ =	strace $0x80000047;
	[smem:$0x7F4] =	sst s21  }
0x8: {  	s29 =	simm.s32 $0x900;
	s30 =	simm.s32 $0x1400;
	[dreg:$0x6] =	wrdreg s25  }
0x9: {  	s31 =	simm.s32 $0x980;
	s4 =	sand.u32 $0x1, s4;
	[dreg:$0x8] =	wrdreg s14  }
0xa: {  	s5 =	smul.u32 $0x7800, s12;
	s18 =	sadd.s32 $0x138000, s2;
	[dreg:$0x9] =	wrdreg s15  }
0xb: {  	s6 =	sadd.s32 $0xFE00, s0;
	s8 =	sadd.s32 $0xE00, s0;
	[smem:$0x7F8] =	sst s18  }
0xc: {  	s9 =	sshll.u32 s12, $0x1;
	s11 =	sadd.s32 $0x21600, s0;
	[dreg:$0xa] =	wrdreg s17  }
0xd: {  	s26 =	smul.u32 $0x4E000, s12;
	s0 =	sadd.s32 $0x21500, s0;
	[dreg:$0xb] =	wrdreg s19  }
0xe: {  	p0 =	sne.s32 s12, $0x0;
	s7 =	smul.u32 $0x3C00, s4;
	[dreg:$0xc] =	wrdreg s20  }
0xf: {  	s10 =	ssub.s32 $0x2, s4;
	[smem:$0x7F9] =	sst s0;
	s25 =	simm.s32 $0x380  }
0x10: {  	s9 =	sor.u32 s4, s9;
	s15 =	simm.s32 $0x500;
	[dreg:$0xf] =	wrdreg s25  }
0x11: {  	s4 =	smul.u32 $0x138800, s4;
	s17 =	simm.s32 $0x580;
	[dreg:$0x15] =	wrdreg s15  }
0x12: {  	s21 =	smul.u32 $0x13800, s12;
	s18 =	simm.s32 $0x1080;
	[dreg:$0x17] =	wrdreg s17  }
0x13: {  	s19 =	simm.s32 $0x600;
	s20 =	simm.s32 $0x1100;
	[dreg:$0x18] =	wrdreg s18  }
0x14: {  	s0 =	simm.s32 $0x1480;
	s22 =	sshrl.u32 s10, $0x1;
	[dreg:$0x19] =	wrdreg s19  }
0x15: {  	[dreg:$0x1a] =	wrdreg s20;
	s25 =	simm.s32 $0x780;
	s5 =	sadd.s32 s7, s5  }
0x16: {  	s7 =	ssub.s32 s10, s22;
	s10 =	simm.s32 $0x180;
	[dreg:$0x1f] =	wrdreg s25  }
0x17: {  	s9 =	smul.u32 $0x3C00, s9;
	s22 =	simm.s32 $0x300;
	[dreg:$0x7] =	wrdreg s10  }
0x18: {  	s15 =	simm.s32 $0xC00;
	[dreg:$0xd] =	wrdreg s22;
	s10 =	simm.s32 $0x480  }
0x19: {  	s17 =	simm.s32 $0x1800;
	s14 =	smax.u32 s7, $0x1;
	[dreg:$0x13] =	wrdreg s10  }
0x1a: {  	s5 =	sshrl.u32 s5, $0x3;
	s22 =	simm.s32 $0x1180;
	[smem:$0x7FC] =	sst s14  }
0x1b: {  	s9 =	sshrl.u32 s9, $0x3;
	s23 =	sadd.s32 s5, s8;
	[dreg:$0x1c] =	wrdreg s22  }
0x1c: {  	s19 =	simm.s32 $0x4C00;
	s24 =	sadd.s32 s6, s9;
	[dreg:$0x4] =	wrdreg s23  }
0x1d: {  	s20 =	simm.s32 $0x8000;
	s5 =	sadd.s32 s5, s6;
	[smem:$0x7F5] =	sst s24  }
0x1e: {  	s18 =	simm.s32 $0x1500;
	s13 =	sadd.s32 s8, s9;
	[dreg:$0x5] =	wrdreg s5  }
0x1f: {  	s6 =	sshrl.u32 s26, $0x2;
	s26 =	simm.s32 $0xE80;
	[smem:$0x7F6] =	sst s13  }
0x20: {  	s25 =	simm.s32 $0x1300;
	s8 =	simm.s32 $0x400;
	[dreg:$0x10] =	wrdreg s26  }
0x21: {  	s9 =	simm.s32 $0xF00;
	s14 =	simm.s32 $0x4;
	[dreg:$0x11] =	wrdreg s8  }
0x22: {  	s22 =	simm.s32 $0x2;
	s16 =	sadd.s32 s6, s2;
	[dreg:$0x12] =	wrdreg s9  }
0x23: {  	s23 =	simm.s32 $0xE00;
	s24 =	sadd.s32 s21, s4;
	[smem:$0x7F7] =	sst s16  }
0x24: {  	s4 =	sshrl.u32 s4, $0x3;
	s13 =	simm.s32 $0xF80;
	[dreg:$0xe] =	wrdreg s23  }
0x25: {  	s21 =	simm.s32 $0x680;
	s26 =	simm.s32 $0x1280;
	[dreg:$0x14] =	wrdreg s13  }
0x26: {  	s5 =	sshrl.u32 s24, $0x3;
	s4 =	sadd.s32 s11, s4;
	[dreg:$0x1b] =	wrdreg s21  }
0x27: {  	s16 =	simm.s32 $0x1000;
	s23 =	simm.s32 $0x700;
	[smem:$0x7FD] =	sst s26  }
0x28: {  	s21 =	simm.s32 $0x1;
	s24 =	simm.s32 $0x1200;
	[dreg:$0x16] =	wrdreg s16  }
0x29: {  	s26 =	simm.s32 $0x880;
	s6 =	sadd.s32 s11, s5;
	[dreg:$0x1d] =	wrdreg s23  }
0x2a: {  	s11 =	sadd.s32 $0x27000, s4;
	s16 =	simm.s32 $0x64;
	[dreg:$0x1e] =	wrdreg s24  }
0x2b: {  	s23 =	simm.s32 $0x3;
	s24 =	simm.s32 $0x800;
	[smem:$0x7FA] =	sst s6  }
0x2c: {  	s4 =	simm.s32 $0x1580;
	s5 =	simm.s32 $0x0;
	[smem:$0x7FB] =	sst s11  }
.LBB2_1:
0x2d: {  	s6 =	sld [smem:$0x7F5];
	_ =	sdelay $0x1  }
0x2e: {  	s3 =	simm.s32 $0x0  }
0x2f: {  	[tilespmem:s3], [sflag:$0x4] =	stream.linear.gather [hbm4b:s6+s3], $0xA00, $0x38;
	[tilespmem:$0x1EC80] =	vst v63  }
0x30: {  	_ =	swait.ge [sflag:s14], $0xA00  }
0x31: {  	s8 =	sld [smem:$0x7F6]  }
0x32: {  	[sflag:s14] =	ssyncset.done $0x0  }
0x33: {  	[sflag:s14] =	ssyncadd.s32 $0xFFFFF600  }
0x34: {  	[tilespmem:s15], [sflag:$0x4] =	stream.linear.gather [hbm4b:s8+s3], $0xA00, $0x38;
	[tilespmem:$0x1EC80] =	vst v63  }
0x35: {  	_ =	swait.ge [sflag:s14], $0xA00  }
0x36: {  	s10 =	stileid.u32;
	[sflag:s14] =	ssyncset.done $0x0;
	s12 =	sld [smem:$0x7F7]  }
0x37: {  	s11 =	sshll.u32 s10, $0x6;
	s13 =	sld [smem:$0x7F4];
	[sflag:s14] =	ssyncadd.s32 $0xFFFFF600  }
0x38: {  	[tilespmem:s17], [sflag:$0x1] =	stream.indirect.gather [hbm4b:s1+s16], $0x80, s3, s16, $0xb8;
	[tilespmem:$0x1EC80] =	vst v63  }
0x39: {  	s9 =	simm.s32 $0x80;
	s6 =	sor.u32 $0x1C04, s11;
	s7 =	sshrl.u32 s12, $0x3  }
0x3a: {  	[tilespmem:s19], [sflag:$0x2] =	stream.indirect.gather [hbm4b:s1+s16], $0x80, s9, s16, $0xb8;
	[tilespmem:$0x1EC80] =	vst v63  }
0x3b: {  	[spmem:s7], [sflag:s6] =	dma.local [hbm:s13], $0x2700  }
0x3c: {  	_ =	swait.ge [sflag:s14], $0x2700  }
0x3d: {  	s3 =	sld [smem:$0x7F8];
	_ =	sdelay $0x2  }
0x3e: {  	s8 =	sshrl.u32 @!p0 s3, $0x3;
	s3 =	sld [smem:$0x7F9]  }
0x3f: {  	[sflag:s14] =	ssyncset.done $0x0  }
0x40: {  	s9 =	simm.s32 @!p0 $0x4;
	[sflag:s14] =	ssyncadd.s32 $0xFFFFD900  }
0x41: {  	[spmem:s8], [sflag:s6] =	dma.local @!p0 [hbm:s3], $0x100  }
0x42: {  	_ =	swait.ge @!p0 [sflag:s9], $0x100  }
0x43: {  	[sflag:s9] =	ssyncset.done @!p0 $0x0  }
0x44: {  	[sflag:s9] =	ssyncadd.s32 @!p0 $0xFFFFFF00  }
0x45: {  	[bflag:$0x0] =	sbarrier.arrive $0xFFFF  }
0x46: {  	p1 =	por $0x1, $0x1;
	s9 =	rddreg [dreg:$0x5]  }
0x47: {  	s10 =	simm.s32 @!p1 $0x0;
	s11 =	simm.s32 @!p1 $0x4;
	s9 =	sadd.s32 @!p1 $0x0, s9  }
0x48: {  	[tilespmem:s10], [sflag:$0x4] =	stream.linear.gather @!p1 [hbm4b:s9+s10], $0xA00, $0x38;
	[tilespmem:$0x1EC80] =	vst v63  }
0x49: {  	_ =	swait.ge @!p1 [sflag:s11], $0xA00  }
0x4a: {  	s9 =	rddreg [dreg:$0x4];
	[sflag:s11] =	ssyncset.done @!p1 $0x0  }
0x4b: {  	s12 =	simm.s32 @!p1 $0xC00;
	[sflag:s11] =	ssyncadd.s32 @!p1 $0xFFFFF600;
	s9 =	sadd.s32 @!p1 $0x0, s9  }
0x4c: {  	[tilespmem:s12], [sflag:$0x4] =	stream.linear.gather @!p1 [hbm4b:s9+s10], $0xA00, $0x38;
	[tilespmem:$0x1EC80] =	vst v63  }
0x4d: {  	_ =	swait.ge @!p1 [sflag:s11], $0xA00  }
0x4e: {  	[sflag:s11] =	ssyncset.done @!p1 $0x0  }
0x4f: {  	s9 =	simm.s32 @!p1 $0x64;
	[sflag:s11] =	ssyncadd.s32 @!p1 $0xFFFFF600;
	s11 =	simm.s32 @!p1 $0x1800  }
0x50: {  	[tilespmem:s11], [sflag:$0x1] =	stream.indirect.gather @!p1 [hbm4b:s1+s9], $0x80, s10, s9, $0xb8;
	[tilespmem:$0x1EC80] =	vst v63  }
0x51: {  	s10 =	simm.s32 @!p1 $0x80;
	s11 =	simm.s32 @!p1 $0x4C00  }
0x52: {  	[tilespmem:s11], [sflag:$0x2] =	stream.indirect.gather @!p1 [hbm4b:s1+s9], $0x80, s10, s9, $0xb8;
	[tilespmem:$0x1EC80] =	vst v63  }
0x53: {  	s3 =	rddreg [dreg:$0x6]  }
0x54: {  	[tilespmem:s20], [sflag:$0x3] =	stream.indirect.gather [hbm4b:s1+s16], $0x80, s3, s16, $0xb8;
	[tilespmem:$0x1EC80] =	vst v63  }
0x55: {  	_ =	swait.ge [sflag:s21], $0x3200  }
0x56: {  	[sflag:s21] =	ssyncset.done $0x0  }
0x57: {  	[sflag:s21] =	ssyncadd.s32 $0xFFFFCE00  }
0x58: {  	[spmem:s2] =	stream.indirect.scatter.add.f32 [tilespmem:s17], [sflag:$0x4], $0x80, s15, s16, $0xb8;
	[tilespmem:$0x1EC80] =	vst v63  }
0x59: {  	_ =	swait.ge [sflag:s14], $0x3200  }
0x5a: {  	[sflag:s14] =	ssyncset.done $0x0  }
0x5b: {  	s13 =	rddreg [dreg:$0x7];
	[sflag:s14] =	ssyncadd.s32 $0xFFFFCE00  }
0x5c: {  	[tilespmem:s17], [sflag:$0x1] =	stream.indirect.gather [hbm4b:s1+s16], $0x80, s13, s16, $0xb8;
	[tilespmem:$0x1EC80] =	vst v63  }
0x5d: {  	_ =	swait.ge [sflag:s22], $0x3200  }
0x5e: {  	[sflag:s22] =	ssyncset.done $0x0  }
0x5f: {  	s3 =	rddreg [dreg:$0x8];
	[sflag:s22] =	ssyncadd.s32 $0xFFFFCE00  }
0x60: {  	[spmem:s2] =	stream.indirect.scatter.add.f32 [tilespmem:s19], [sflag:$0x4], $0x80, s3, s16, $0xb8;
	[tilespmem:$0x1EC80] =	vst v63  }
0x61: {  	_ =	swait.ge [sflag:s14], $0x3200  }
0x62: {  	[sflag:s14] =	ssyncset.done $0x0  }
0x63: {  	s10 =	rddreg [dreg:$0x9];
	[sflag:s14] =	ssyncadd.s32 $0xFFFFCE00  }
0x64: {  	[tilespmem:s19], [sflag:$0x2] =	stream.indirect.gather [hbm4b:s1+s16], $0x80, s10, s16, $0xb8;
	[tilespmem:$0x1EC80] =	vst v63  }
0x65: {  	_ =	swait.ge [sflag:s23], $0x3200  }
0x66: {  	[sflag:s23] =	ssyncset.done $0x0  }
0x67: {  	s11 =	rddreg [dreg:$0xa];
	[sflag:s23] =	ssyncadd.s32 $0xFFFFCE00  }
0x68: {  	[spmem:s2] =	stream.indirect.scatter.add.f32 [tilespmem:s20], [sflag:$0x4], $0x80, s11, s16, $0xb8;
	[tilespmem:$0x1EC80] =	vst v63  }
0x69: {  	_ =	swait.ge [sflag:s14], $0x3200  }
0x6a: {  	[sflag:s14] =	ssyncset.done $0x0  }
0x6b: {  	s12 =	rddreg [dreg:$0xb];
	[sflag:s14] =	ssyncadd.s32 $0xFFFFCE00  }
0x6c: {  	[tilespmem:s20], [sflag:$0x3] =	stream.indirect.gather [hbm4b:s1+s16], $0x80, s12, s16, $0xb8;
	[tilespmem:$0x1EC80] =	vst v63  }
0x6d: {  	_ =	swait.ge [sflag:s21], $0x3200  }
0x6e: {  	[sflag:s21] =	ssyncset.done $0x0  }
0x6f: {  	s13 =	rddreg [dreg:$0xc];
	[sflag:s21] =	ssyncadd.s32 $0xFFFFCE00  }
0x70: {  	[spmem:s2] =	stream.indirect.scatter.add.f32 [tilespmem:s17], [sflag:$0x4], $0x80, s13, s16, $0xb8;
	[tilespmem:$0x1EC80] =	vst v63  }
0x71: {  	_ =	swait.ge [sflag:s14], $0x3200  }
0x72: {  	[sflag:s14] =	ssyncset.done $0x0  }
0x73: {  	s3 =	rddreg [dreg:$0xd];
	[sflag:s14] =	ssyncadd.s32 $0xFFFFCE00  }
0x74: {  	[tilespmem:s17], [sflag:$0x1] =	stream.indirect.gather [hbm4b:s1+s16], $0x80, s3, s16, $0xb8;
	[tilespmem:$0x1EC80] =	vst v63  }
0x75: {  	_ =	swait.ge [sflag:s22], $0x3200  }
0x76: {  	[sflag:s22] =	ssyncset.done $0x0  }
0x77: {  	s10 =	rddreg [dreg:$0xe];
	[sflag:s22] =	ssyncadd.s32 $0xFFFFCE00  }
0x78: {  	[spmem:s2] =	stream.indirect.scatter.add.f32 [tilespmem:s19], [sflag:$0x4], $0x80, s10, s16, $0xb8;
	[tilespmem:$0x1EC80] =	vst v63  }
0x79: {  	_ =	swait.ge [sflag:s14], $0x3200  }
0x7a: {  	[sflag:s14] =	ssyncset.done $0x0  }
0x7b: {  	s11 =	rddreg [dreg:$0xf];
	[sflag:s14] =	ssyncadd.s32 $0xFFFFCE00  }
0x7c: {  	[tilespmem:s19], [sflag:$0x2] =	stream.indirect.gather [hbm4b:s1+s16], $0x80, s11, s16, $0xb8;
	[tilespmem:$0x1EC80] =	vst v63  }
0x7d: {  	_ =	swait.ge [sflag:s23], $0x3200  }
0x7e: {  	[sflag:s23] =	ssyncset.done $0x0  }
0x7f: {  	s12 =	rddreg [dreg:$0x10];
	[sflag:s23] =	ssyncadd.s32 $0xFFFFCE00  }
0x80: {  	[spmem:s2] =	stream.indirect.scatter.add.f32 [tilespmem:s20], [sflag:$0x4], $0x80, s12, s16, $0xb8;
	[tilespmem:$0x1EC80] =	vst v63  }
0x81: {  	_ =	swait.ge [sflag:s14], $0x3200  }
0x82: {  	[sflag:s14] =	ssyncset.done $0x0  }
0x83: {  	s13 =	rddreg [dreg:$0x11];
	[sflag:s14] =	ssyncadd.s32 $0xFFFFCE00  }
0x84: {  	[tilespmem:s20], [sflag:$0x3] =	stream.indirect.gather [hbm4b:s1+s16], $0x80, s13, s16, $0xb8;
	[tilespmem:$0x1EC80] =	vst v63  }
0x85: {  	_ =	swait.ge [sflag:s21], $0x3200  }
0x86: {  	[sflag:s21] =	ssyncset.done $0x0  }
0x87: {  	s3 =	rddreg [dreg:$0x12];
	[sflag:s21] =	ssyncadd.s32 $0xFFFFCE00  }
0x88: {  	[spmem:s2] =	stream.indirect.scatter.add.f32 [tilespmem:s17], [sflag:$0x4], $0x80, s3, s16, $0xb8;
	[tilespmem:$0x1EC80] =	vst v63  }
0x89: {  	_ =	swait.ge [sflag:s14], $0x3200  }
0x8a: {  	[sflag:s14] =	ssyncset.done $0x0  }
0x8b: {  	s10 =	rddreg [dreg:$0x13];
	[sflag:s14] =	ssyncadd.s32 $0xFFFFCE00  }
0x8c: {  	[tilespmem:s17], [sflag:$0x1] =	stream.indirect.gather [hbm4b:s1+s16], $0x80, s10, s16, $0xb8;
	[tilespmem:$0x1EC80] =	vst v63  }
0x8d: {  	_ =	swait.ge [sflag:s22], $0x3200  }
0x8e: {  	[sflag:s22] =	ssyncset.done $0x0  }
0x8f: {  	s11 =	rddreg [dreg:$0x14];
	[sflag:s22] =	ssyncadd.s32 $0xFFFFCE00  }
0x90: {  	[spmem:s2] =	stream.indirect.scatter.add.f32 [tilespmem:s19], [sflag:$0x4], $0x80, s11, s16, $0xb8;
	[tilespmem:$0x1EC80] =	vst v63  }
0x91: {  	_ =	swait.ge [sflag:s14], $0x3200  }
0x92: {  	[sflag:s14] =	ssyncset.done $0x0  }
0x93: {  	s12 =	rddreg [dreg:$0x15];
	[sflag:s14] =	ssyncadd.s32 $0xFFFFCE00  }
0x94: {  	[tilespmem:s19], [sflag:$0x2] =	stream.indirect.gather [hbm4b:s1+s16], $0x80, s12, s16, $0xb8;
	[tilespmem:$0x1EC80] =	vst v63  }
0x95: {  	_ =	swait.ge [sflag:s23], $0x3200  }
0x96: {  	[sflag:s23] =	ssyncset.done $0x0  }
0x97: {  	s13 =	rddreg [dreg:$0x16];
	[sflag:s23] =	ssyncadd.s32 $0xFFFFCE00  }
0x98: {  	[spmem:s2] =	stream.indirect.scatter.add.f32 [tilespmem:s20], [sflag:$0x4], $0x80, s13, s16, $0xb8;
	[tilespmem:$0x1EC80] =	vst v63  }
0x99: {  	_ =	swait.ge [sflag:s14], $0x3200  }
0x9a: {  	[sflag:s14] =	ssyncset.done $0x0  }
0x9b: {  	s3 =	rddreg [dreg:$0x17];
	[sflag:s14] =	ssyncadd.s32 $0xFFFFCE00  }
0x9c: {  	[tilespmem:s20], [sflag:$0x3] =	stream.indirect.gather [hbm4b:s1+s16], $0x80, s3, s16, $0xb8;
	[tilespmem:$0x1EC80] =	vst v63  }
0x9d: {  	_ =	swait.ge [sflag:s21], $0x3200  }
0x9e: {  	[sflag:s21] =	ssyncset.done $0x0  }
0x9f: {  	s10 =	rddreg [dreg:$0x18];
	[sflag:s21] =	ssyncadd.s32 $0xFFFFCE00  }
0xa0: {  	[spmem:s2] =	stream.indirect.scatter.add.f32 [tilespmem:s17], [sflag:$0x4], $0x80, s10, s16, $0xb8;
	[tilespmem:$0x1EC80] =	vst v63  }
0xa1: {  	_ =	swait.ge [sflag:s14], $0x3200  }
0xa2: {  	[sflag:s14] =	ssyncset.done $0x0  }
0xa3: {  	s11 =	rddreg [dreg:$0x19];
	[sflag:s14] =	ssyncadd.s32 $0xFFFFCE00  }
0xa4: {  	[tilespmem:s17], [sflag:$0x1] =	stream.indirect.gather [hbm4b:s1+s16], $0x80, s11, s16, $0xb8;
	[tilespmem:$0x1EC80] =	vst v63  }
0xa5: {  	_ =	swait.ge [sflag:s22], $0x3200  }
0xa6: {  	[sflag:s22] =	ssyncset.done $0x0  }
0xa7: {  	s12 =	rddreg [dreg:$0x1a];
	[sflag:s22] =	ssyncadd.s32 $0xFFFFCE00  }
0xa8: {  	[spmem:s2] =	stream.indirect.scatter.add.f32 [tilespmem:s19], [sflag:$0x4], $0x80, s12, s16, $0xb8;
	[tilespmem:$0x1EC80] =	vst v63  }
0xa9: {  	_ =	swait.ge [sflag:s14], $0x3200  }
0xaa: {  	[sflag:s14] =	ssyncset.done $0x0  }
0xab: {  	s13 =	rddreg [dreg:$0x1b];
	[sflag:s14] =	ssyncadd.s32 $0xFFFFCE00  }
0xac: {  	[tilespmem:s19], [sflag:$0x2] =	stream.indirect.gather [hbm4b:s1+s16], $0x80, s13, s16, $0xb8;
	[tilespmem:$0x1EC80] =	vst v63  }
0xad: {  	_ =	swait.ge [sflag:s23], $0x3200  }
0xae: {  	[sflag:s23] =	ssyncset.done $0x0  }
0xaf: {  	s3 =	rddreg [dreg:$0x1c];
	[sflag:s23] =	ssyncadd.s32 $0xFFFFCE00  }
0xb0: {  	[spmem:s2] =	stream.indirect.scatter.add.f32 [tilespmem:s20], [sflag:$0x4], $0x80, s3, s16, $0xb8;
	[tilespmem:$0x1EC80] =	vst v63  }
0xb1: {  	_ =	swait.ge [sflag:s14], $0x3200  }
0xb2: {  	[sflag:s14] =	ssyncset.done $0x0  }
0xb3: {  	s10 =	rddreg [dreg:$0x1d];
	[sflag:s14] =	ssyncadd.s32 $0xFFFFCE00  }
0xb4: {  	[tilespmem:s20], [sflag:$0x3] =	stream.indirect.gather [hbm4b:s1+s16], $0x80, s10, s16, $0xb8;
	[tilespmem:$0x1EC80] =	vst v63  }
0xb5: {  	_ =	swait.ge [sflag:s21], $0x3200  }
0xb6: {  	[sflag:s21] =	ssyncset.done $0x0  }
0xb7: {  	s11 =	rddreg [dreg:$0x1e];
	[sflag:s21] =	ssyncadd.s32 $0xFFFFCE00  }
0xb8: {  	[spmem:s2] =	stream.indirect.scatter.add.f32 [tilespmem:s17], [sflag:$0x4], $0x80, s11, s16, $0xb8;
	[tilespmem:$0x1EC80] =	vst v63  }
0xb9: {  	_ =	swait.ge [sflag:s14], $0x3200  }
0xba: {  	[sflag:s14] =	ssyncset.done $0x0  }
0xbb: {  	s12 =	rddreg [dreg:$0x1f];
	[sflag:s14] =	ssyncadd.s32 $0xFFFFCE00  }
0xbc: {  	[tilespmem:s17], [sflag:$0x1] =	stream.indirect.gather [hbm4b:s1+s16], $0x80, s12, s16, $0xb8;
	[tilespmem:$0x1EC80] =	vst v63  }
0xbd: {  	_ =	swait.ge [sflag:s22], $0x3200  }
0xbe: {  	s13 =	sld [smem:$0x7FD]  }
0xbf: {  	[sflag:s22] =	ssyncset.done $0x0  }
0xc0: {  	[sflag:s22] =	ssyncadd.s32 $0xFFFFCE00  }
0xc1: {  	[spmem:s2] =	stream.indirect.scatter.add.f32 [tilespmem:s19], [sflag:$0x4], $0x80, s13, s16, $0xb8;
	[tilespmem:$0x1EC80] =	vst v63  }
0xc2: {  	_ =	swait.ge [sflag:s14], $0x3200  }
0xc3: {  	[sflag:s14] =	ssyncset.done $0x0  }
0xc4: {  	[sflag:s14] =	ssyncadd.s32 $0xFFFFCE00  }
0xc5: {  	[tilespmem:s19], [sflag:$0x2] =	stream.indirect.gather [hbm4b:s1+s16], $0x80, s24, s16, $0xb8;
	[tilespmem:$0x1EC80] =	vst v63  }
0xc6: {  	_ =	swait.ge [sflag:s23], $0x3200  }
0xc7: {  	[sflag:s23] =	ssyncset.done $0x0  }
0xc8: {  	[sflag:s23] =	ssyncadd.s32 $0xFFFFCE00  }
0xc9: {  	[spmem:s2] =	stream.indirect.scatter.add.f32 [tilespmem:s20], [sflag:$0x4], $0x80, s25, s16, $0xb8;
	[tilespmem:$0x1EC80] =	vst v63  }
0xca: {  	_ =	swait.ge [sflag:s14], $0x3200  }
0xcb: {  	[sflag:s14] =	ssyncset.done $0x0  }
0xcc: {  	[sflag:s14] =	ssyncadd.s32 $0xFFFFCE00  }
0xcd: {  	[tilespmem:s20], [sflag:$0x3] =	stream.indirect.gather [hbm4b:s1+s16], $0x80, s26, s16, $0xb8;
	[tilespmem:$0x1EC80] =	vst v63  }
0xce: {  	_ =	swait.ge [sflag:s21], $0x3200  }
0xcf: {  	[sflag:s21] =	ssyncset.done $0x0  }
0xd0: {  	[sflag:s21] =	ssyncadd.s32 $0xFFFFCE00  }
0xd1: {  	[spmem:s2] =	stream.indirect.scatter.add.f32 [tilespmem:s17], [sflag:$0x4], $0x80, s28, s16, $0xb8;
	[tilespmem:$0x1EC80] =	vst v63  }
0xd2: {  	_ =	swait.ge [sflag:s14], $0x3200  }
0xd3: {  	[sflag:s14] =	ssyncset.done $0x0  }
0xd4: {  	[sflag:s14] =	ssyncadd.s32 $0xFFFFCE00  }
0xd5: {  	[tilespmem:s17], [sflag:$0x1] =	stream.indirect.gather [hbm4b:s1+s16], $0x80, s29, s16, $0xb8;
	[tilespmem:$0x1EC80] =	vst v63  }
0xd6: {  	_ =	swait.ge [sflag:s22], $0x3200  }
0xd7: {  	[sflag:s22] =	ssyncset.done $0x0  }
0xd8: {  	[sflag:s22] =	ssyncadd.s32 $0xFFFFCE00  }
0xd9: {  	[spmem:s2] =	stream.indirect.scatter.add.f32 [tilespmem:s19], [sflag:$0x4], $0x80, s30, s16, $0xb8;
	[tilespmem:$0x1EC80] =	vst v63  }
0xda: {  	_ =	swait.ge [sflag:s14], $0x3200  }
0xdb: {  	[sflag:s14] =	ssyncset.done $0x0  }
0xdc: {  	[sflag:s14] =	ssyncadd.s32 $0xFFFFCE00  }
0xdd: {  	[tilespmem:s19], [sflag:$0x2] =	stream.indirect.gather [hbm4b:s1+s16], $0x80, s31, s16, $0xb8;
	[tilespmem:$0x1EC80] =	vst v63  }
0xde: {  	_ =	swait.ge [sflag:s23], $0x3200  }
0xdf: {  	[sflag:s23] =	ssyncset.done $0x0  }
0xe0: {  	[sflag:s23] =	ssyncadd.s32 $0xFFFFCE00  }
0xe1: {  	[spmem:s2] =	stream.indirect.scatter.add.f32 [tilespmem:s20], [sflag:$0x4], $0x80, s0, s16, $0xb8;
	[tilespmem:$0x1EC80] =	vst v63  }
0xe2: {  	_ =	swait.ge [sflag:s14], $0x3200  }
0xe3: {  	[sflag:s14] =	ssyncset.done $0x0  }
0xe4: {  	[sflag:s14] =	ssyncadd.s32 $0xFFFFCE00  }
0xe5: {  	_ =	swait.ge [sflag:s21], $0x3200  }
0xe6: {  	[sflag:s21] =	ssyncset.done $0x0  }
0xe7: {  	[sflag:s21] =	ssyncadd.s32 $0xFFFFCE00  }
0xe8: {  	[spmem:s2] =	stream.indirect.scatter.add.f32 [tilespmem:s17], [sflag:$0x4], $0x80, s18, s16, $0xb8;
	[tilespmem:$0x1EC80] =	vst v63  }
0xe9: {  	_ =	swait.ge [sflag:s14], $0x3200  }
0xea: {  	[sflag:s14] =	ssyncset.done $0x0  }
0xeb: {  	[sflag:s14] =	ssyncadd.s32 $0xFFFFCE00  }
0xec: {  	_ =	swait.ge [sflag:s22], $0x3200  }
0xed: {  	[sflag:s22] =	ssyncset.done $0x0  }
0xee: {  	[sflag:s22] =	ssyncadd.s32 $0xFFFFCE00  }
0xef: {  	[spmem:s2] =	stream.indirect.scatter.add.f32 [tilespmem:s19], [sflag:$0x4], $0x80, s4, s16, $0xb8;
	[tilespmem:$0x1EC80] =	vst v63  }
0xf0: {  	s9 =	simm.s32 $0x180;
	_ =	swait.ge [sflag:s14], $0x3200  }
0xf1: {  	s10 =	simm.s32 $0x300;
	s11 =	rddreg [dreg:$0x5];
	[sflag:s14] =	ssyncset.done $0x0  }
.LBB2_2:
0xf2: {  	[sflag:s14] =	ssyncadd.s32 $0xFFFFCE00;
	p2 =	seq.s32 s9, $0x0  }
0xf3: {  	s11 =	sadd.s32 @!p2 s9, s11;
	s13 =	simm.s32 @!p2 $0x0;
	s3 =	simm.s32 @!p2 $0x4  }
0xf4: {  	[tilespmem:s13], [sflag:$0x4] =	stream.linear.gather @!p2 [hbm4b:s11+s13], $0xA00, $0x38;
	[tilespmem:$0x1EC80] =	vst v63  }
0xf5: {  	_ =	swait.ge @!p2 [sflag:s3], $0xA00  }
0xf6: {  	s11 =	rddreg [dreg:$0x4];
	[sflag:s3] =	ssyncset.done @!p2 $0x0  }
0xf7: {  	[sflag:s3] =	ssyncadd.s32 @!p2 $0xFFFFF600;
	s9 =	sadd.s32 @!p2 s9, s11;
	s11 =	simm.s32 @!p2 $0xC00  }
0xf8: {  	[tilespmem:s11], [sflag:$0x4] =	stream.linear.gather @!p2 [hbm4b:s9+s13], $0xA00, $0x38;
	[tilespmem:$0x1EC80] =	vst v63  }
0xf9: {  	_ =	swait.ge @!p2 [sflag:s3], $0xA00  }
0xfa: {  	s12 =	smov.u32 s10;
	[sflag:s3] =	ssyncset.done @!p2 $0x0  }
0xfb: {  	s11 =	simm.s32 @!p2 $0x1800;
	[sflag:s3] =	ssyncadd.s32 @!p2 $0xFFFFF600;
	s3 =	simm.s32 @!p2 $0x64  }
0xfc: {  	[tilespmem:s11], [sflag:$0x1] =	stream.indirect.gather @!p2 [hbm4b:s1+s3], $0x80, s13, s3, $0xb8;
	[tilespmem:$0x1EC80] =	vst v63  }
0xfd: {  	s9 =	smov.u32 s12;
	s12 =	simm.s32 @!p2 $0x4C00;
	s11 =	simm.s32 @!p2 $0x80  }
0xfe: {  	[tilespmem:s12], [sflag:$0x2] =	stream.indirect.gather @!p2 [hbm4b:s1+s3], $0x80, s11, s3, $0xb8;
	[tilespmem:$0x1EC80] =	vst v63  }
0xff: {  	s13 =	rddreg [dreg:$0x6]  }
0x100: {  	[tilespmem:s20], [sflag:$0x3] =	stream.indirect.gather [hbm4b:s1+s16], $0x80, s13, s16, $0xb8;
	[tilespmem:$0x1EC80] =	vst v63  }
0x101: {  	_ =	swait.ge [sflag:s21], $0x3200  }
0x102: {  	[sflag:s21] =	ssyncset.done $0x0  }
0x103: {  	[sflag:s21] =	ssyncadd.s32 $0xFFFFCE00  }
0x104: {  	[spmem:s2] =	stream.indirect.scatter.add.f32 [tilespmem:s17], [sflag:$0x4], $0x80, s15, s16, $0xb8;
	[tilespmem:$0x1EC80] =	vst v63  }
0x105: {  	_ =	swait.ge [sflag:s14], $0x3200  }
0x106: {  	[sflag:s14] =	ssyncset.done $0x0  }
0x107: {  	s12 =	rddreg [dreg:$0x7];
	[sflag:s14] =	ssyncadd.s32 $0xFFFFCE00  }
0x108: {  	[tilespmem:s17], [sflag:$0x1] =	stream.indirect.gather [hbm4b:s1+s16], $0x80, s12, s16, $0xb8;
	[tilespmem:$0x1EC80] =	vst v63  }
0x109: {  	_ =	swait.ge [sflag:s22], $0x3200  }
0x10a: {  	[sflag:s22] =	ssyncset.done $0x0  }
0x10b: {  	s13 =	rddreg [dreg:$0x8];
	[sflag:s22] =	ssyncadd.s32 $0xFFFFCE00  }
0x10c: {  	[spmem:s2] =	stream.indirect.scatter.add.f32 [tilespmem:s19], [sflag:$0x4], $0x80, s13, s16, $0xb8;
	[tilespmem:$0x1EC80] =	vst v63  }
0x10d: {  	_ =	swait.ge [sflag:s14], $0x3200  }
0x10e: {  	[sflag:s14] =	ssyncset.done $0x0  }
0x10f: {  	s11 =	rddreg [dreg:$0x9];
	[sflag:s14] =	ssyncadd.s32 $0xFFFFCE00  }
0x110: {  	[tilespmem:s19], [sflag:$0x2] =	stream.indirect.gather [hbm4b:s1+s16], $0x80, s11, s16, $0xb8;
	[tilespmem:$0x1EC80] =	vst v63  }
0x111: {  	_ =	swait.ge [sflag:s23], $0x3200  }
0x112: {  	[sflag:s23] =	ssyncset.done $0x0  }
0x113: {  	s12 =	rddreg [dreg:$0xa];
	[sflag:s23] =	ssyncadd.s32 $0xFFFFCE00  }
0x114: {  	[spmem:s2] =	stream.indirect.scatter.add.f32 [tilespmem:s20], [sflag:$0x4], $0x80, s12, s16, $0xb8;
	[tilespmem:$0x1EC80] =	vst v63  }
0x115: {  	_ =	swait.ge [sflag:s14], $0x3200  }
0x116: {  	[sflag:s14] =	ssyncset.done $0x0  }
0x117: {  	s13 =	rddreg [dreg:$0xb];
	[sflag:s14] =	ssyncadd.s32 $0xFFFFCE00  }
0x118: {  	[tilespmem:s20], [sflag:$0x3] =	stream.indirect.gather [hbm4b:s1+s16], $0x80, s13, s16, $0xb8;
	[tilespmem:$0x1EC80] =	vst v63  }
0x119: {  	_ =	swait.ge [sflag:s21], $0x3200  }
0x11a: {  	[sflag:s21] =	ssyncset.done $0x0  }
0x11b: {  	s11 =	rddreg [dreg:$0xc];
	[sflag:s21] =	ssyncadd.s32 $0xFFFFCE00  }
0x11c: {  	[spmem:s2] =	stream.indirect.scatter.add.f32 [tilespmem:s17], [sflag:$0x4], $0x80, s11, s16, $0xb8;
	[tilespmem:$0x1EC80] =	vst v63  }
0x11d: {  	_ =	swait.ge [sflag:s14], $0x3200  }
0x11e: {  	[sflag:s14] =	ssyncset.done $0x0  }
0x11f: {  	s12 =	rddreg [dreg:$0xd];
	[sflag:s14] =	ssyncadd.s32 $0xFFFFCE00  }
0x120: {  	[tilespmem:s17], [sflag:$0x1] =	stream.indirect.gather [hbm4b:s1+s16], $0x80, s12, s16, $0xb8;
	[tilespmem:$0x1EC80] =	vst v63  }
0x121: {  	_ =	swait.ge [sflag:s22], $0x3200  }
0x122: {  	[sflag:s22] =	ssyncset.done $0x0  }
0x123: {  	s13 =	rddreg [dreg:$0xe];
	[sflag:s22] =	ssyncadd.s32 $0xFFFFCE00  }
0x124: {  	[spmem:s2] =	stream.indirect.scatter.add.f32 [tilespmem:s19], [sflag:$0x4], $0x80, s13, s16, $0xb8;
	[tilespmem:$0x1EC80] =	vst v63  }
0x125: {  	_ =	swait.ge [sflag:s14], $0x3200  }
0x126: {  	[sflag:s14] =	ssyncset.done $0x0  }
0x127: {  	s11 =	rddreg [dreg:$0xf];
	[sflag:s14] =	ssyncadd.s32 $0xFFFFCE00  }
0x128: {  	[tilespmem:s19], [sflag:$0x2] =	stream.indirect.gather [hbm4b:s1+s16], $0x80, s11, s16, $0xb8;
	[tilespmem:$0x1EC80] =	vst v63  }
0x129: {  	_ =	swait.ge [sflag:s23], $0x3200  }
0x12a: {  	[sflag:s23] =	ssyncset.done $0x0  }
0x12b: {  	s12 =	rddreg [dreg:$0x10];
	[sflag:s23] =	ssyncadd.s32 $0xFFFFCE00  }
0x12c: {  	[spmem:s2] =	stream.indirect.scatter.add.f32 [tilespmem:s20], [sflag:$0x4], $0x80, s12, s16, $0xb8;
	[tilespmem:$0x1EC80] =	vst v63  }
0x12d: {  	_ =	swait.ge [sflag:s14], $0x3200  }
0x12e: {  	[sflag:s14] =	ssyncset.done $0x0  }
0x12f: {  	s13 =	rddreg [dreg:$0x11];
	[sflag:s14] =	ssyncadd.s32 $0xFFFFCE00  }
0x130: {  	[tilespmem:s20], [sflag:$0x3] =	stream.indirect.gather [hbm4b:s1+s16], $0x80, s13, s16, $0xb8;
	[tilespmem:$0x1EC80] =	vst v63  }
0x131: {  	_ =	swait.ge [sflag:s21], $0x3200  }
0x132: {  	[sflag:s21] =	ssyncset.done $0x0  }
0x133: {  	s11 =	rddreg [dreg:$0x12];
	[sflag:s21] =	ssyncadd.s32 $0xFFFFCE00  }
0x134: {  	[spmem:s2] =	stream.indirect.scatter.add.f32 [tilespmem:s17], [sflag:$0x4], $0x80, s11, s16, $0xb8;
	[tilespmem:$0x1EC80] =	vst v63  }
0x135: {  	_ =	swait.ge [sflag:s14], $0x3200  }
0x136: {  	[sflag:s14] =	ssyncset.done $0x0  }
0x137: {  	s12 =	rddreg [dreg:$0x13];
	[sflag:s14] =	ssyncadd.s32 $0xFFFFCE00  }
0x138: {  	[tilespmem:s17], [sflag:$0x1] =	stream.indirect.gather [hbm4b:s1+s16], $0x80, s12, s16, $0xb8;
	[tilespmem:$0x1EC80] =	vst v63  }
0x139: {  	_ =	swait.ge [sflag:s22], $0x3200  }
0x13a: {  	[sflag:s22] =	ssyncset.done $0x0  }
0x13b: {  	s13 =	rddreg [dreg:$0x14];
	[sflag:s22] =	ssyncadd.s32 $0xFFFFCE00  }
0x13c: {  	[spmem:s2] =	stream.indirect.scatter.add.f32 [tilespmem:s19], [sflag:$0x4], $0x80, s13, s16, $0xb8;
	[tilespmem:$0x1EC80] =	vst v63  }
0x13d: {  	_ =	swait.ge [sflag:s14], $0x3200  }
0x13e: {  	[sflag:s14] =	ssyncset.done $0x0  }
0x13f: {  	s11 =	rddreg [dreg:$0x15];
	[sflag:s14] =	ssyncadd.s32 $0xFFFFCE00  }
0x140: {  	[tilespmem:s19], [sflag:$0x2] =	stream.indirect.gather [hbm4b:s1+s16], $0x80, s11, s16, $0xb8;
	[tilespmem:$0x1EC80] =	vst v63  }
0x141: {  	_ =	swait.ge [sflag:s23], $0x3200  }
0x142: {  	[sflag:s23] =	ssyncset.done $0x0  }
0x143: {  	s12 =	rddreg [dreg:$0x16];
	[sflag:s23] =	ssyncadd.s32 $0xFFFFCE00  }
0x144: {  	[spmem:s2] =	stream.indirect.scatter.add.f32 [tilespmem:s20], [sflag:$0x4], $0x80, s12, s16, $0xb8;
	[tilespmem:$0x1EC80] =	vst v63  }
0x145: {  	_ =	swait.ge [sflag:s14], $0x3200  }
0x146: {  	[sflag:s14] =	ssyncset.done $0x0  }
0x147: {  	s13 =	rddreg [dreg:$0x17];
	[sflag:s14] =	ssyncadd.s32 $0xFFFFCE00  }
0x148: {  	[tilespmem:s20], [sflag:$0x3] =	stream.indirect.gather [hbm4b:s1+s16], $0x80, s13, s16, $0xb8;
	[tilespmem:$0x1EC80] =	vst v63  }
0x149: {  	_ =	swait.ge [sflag:s21], $0x3200  }
0x14a: {  	[sflag:s21] =	ssyncset.done $0x0  }
0x14b: {  	s11 =	rddreg [dreg:$0x18];
	[sflag:s21] =	ssyncadd.s32 $0xFFFFCE00  }
0x14c: {  	[spmem:s2] =	stream.indirect.scatter.add.f32 [tilespmem:s17], [sflag:$0x4], $0x80, s11, s16, $0xb8;
	[tilespmem:$0x1EC80] =	vst v63  }
0x14d: {  	_ =	swait.ge [sflag:s14], $0x3200  }
0x14e: {  	[sflag:s14] =	ssyncset.done $0x0  }
0x14f: {  	s12 =	rddreg [dreg:$0x19];
	[sflag:s14] =	ssyncadd.s32 $0xFFFFCE00  }
0x150: {  	[tilespmem:s17], [sflag:$0x1] =	stream.indirect.gather [hbm4b:s1+s16], $0x80, s12, s16, $0xb8;
	[tilespmem:$0x1EC80] =	vst v63  }
0x151: {  	_ =	swait.ge [sflag:s22], $0x3200  }
0x152: {  	[sflag:s22] =	ssyncset.done $0x0  }
0x153: {  	s13 =	rddreg [dreg:$0x1a];
	[sflag:s22] =	ssyncadd.s32 $0xFFFFCE00  }
0x154: {  	[spmem:s2] =	stream.indirect.scatter.add.f32 [tilespmem:s19], [sflag:$0x4], $0x80, s13, s16, $0xb8;
	[tilespmem:$0x1EC80] =	vst v63  }
0x155: {  	_ =	swait.ge [sflag:s14], $0x3200  }
0x156: {  	[sflag:s14] =	ssyncset.done $0x0  }
0x157: {  	s11 =	rddreg [dreg:$0x1b];
	[sflag:s14] =	ssyncadd.s32 $0xFFFFCE00  }
0x158: {  	[tilespmem:s19], [sflag:$0x2] =	stream.indirect.gather [hbm4b:s1+s16], $0x80, s11, s16, $0xb8;
	[tilespmem:$0x1EC80] =	vst v63  }
0x159: {  	_ =	swait.ge [sflag:s23], $0x3200  }
0x15a: {  	[sflag:s23] =	ssyncset.done $0x0  }
0x15b: {  	s12 =	rddreg [dreg:$0x1c];
	[sflag:s23] =	ssyncadd.s32 $0xFFFFCE00  }
0x15c: {  	[spmem:s2] =	stream.indirect.scatter.add.f32 [tilespmem:s20], [sflag:$0x4], $0x80, s12, s16, $0xb8;
	[tilespmem:$0x1EC80] =	vst v63  }
0x15d: {  	_ =	swait.ge [sflag:s14], $0x3200  }
0x15e: {  	[sflag:s14] =	ssyncset.done $0x0  }
0x15f: {  	s13 =	rddreg [dreg:$0x1d];
	[sflag:s14] =	ssyncadd.s32 $0xFFFFCE00  }
0x160: {  	[tilespmem:s20], [sflag:$0x3] =	stream.indirect.gather [hbm4b:s1+s16], $0x80, s13, s16, $0xb8;
	[tilespmem:$0x1EC80] =	vst v63  }
0x161: {  	_ =	swait.ge [sflag:s21], $0x3200  }
0x162: {  	[sflag:s21] =	ssyncset.done $0x0  }
0x163: {  	s11 =	rddreg [dreg:$0x1e];
	[sflag:s21] =	ssyncadd.s32 $0xFFFFCE00  }
0x164: {  	[spmem:s2] =	stream.indirect.scatter.add.f32 [tilespmem:s17], [sflag:$0x4], $0x80, s11, s16, $0xb8;
	[tilespmem:$0x1EC80] =	vst v63  }
0x165: {  	_ =	swait.ge [sflag:s14], $0x3200  }
0x166: {  	[sflag:s14] =	ssyncset.done $0x0  }
0x167: {  	s12 =	rddreg [dreg:$0x1f];
	[sflag:s14] =	ssyncadd.s32 $0xFFFFCE00  }
0x168: {  	[tilespmem:s17], [sflag:$0x1] =	stream.indirect.gather [hbm4b:s1+s16], $0x80, s12, s16, $0xb8;
	[tilespmem:$0x1EC80] =	vst v63  }
0x169: {  	_ =	swait.ge [sflag:s22], $0x3200  }
0x16a: {  	s13 =	sld [smem:$0x7FD]  }
0x16b: {  	[sflag:s22] =	ssyncset.done $0x0  }
0x16c: {  	[sflag:s22] =	ssyncadd.s32 $0xFFFFCE00  }
0x16d: {  	[spmem:s2] =	stream.indirect.scatter.add.f32 [tilespmem:s19], [sflag:$0x4], $0x80, s13, s16, $0xb8;
	[tilespmem:$0x1EC80] =	vst v63  }
0x16e: {  	_ =	swait.ge [sflag:s14], $0x3200  }
0x16f: {  	[sflag:s14] =	ssyncset.done $0x0  }
0x170: {  	[sflag:s14] =	ssyncadd.s32 $0xFFFFCE00  }
0x171: {  	[tilespmem:s19], [sflag:$0x2] =	stream.indirect.gather [hbm4b:s1+s16], $0x80, s24, s16, $0xb8;
	[tilespmem:$0x1EC80] =	vst v63  }
0x172: {  	_ =	swait.ge [sflag:s23], $0x3200  }
0x173: {  	[sflag:s23] =	ssyncset.done $0x0  }
0x174: {  	[sflag:s23] =	ssyncadd.s32 $0xFFFFCE00  }
0x175: {  	[spmem:s2] =	stream.indirect.scatter.add.f32 [tilespmem:s20], [sflag:$0x4], $0x80, s25, s16, $0xb8;
	[tilespmem:$0x1EC80] =	vst v63  }
0x176: {  	_ =	swait.ge [sflag:s14], $0x3200  }
0x177: {  	[sflag:s14] =	ssyncset.done $0x0  }
0x178: {  	[sflag:s14] =	ssyncadd.s32 $0xFFFFCE00  }
0x179: {  	[tilespmem:s20], [sflag:$0x3] =	stream.indirect.gather [hbm4b:s1+s16], $0x80, s26, s16, $0xb8;
	[tilespmem:$0x1EC80] =	vst v63  }
0x17a: {  	_ =	swait.ge [sflag:s21], $0x3200  }
0x17b: {  	[sflag:s21] =	ssyncset.done $0x0  }
0x17c: {  	[sflag:s21] =	ssyncadd.s32 $0xFFFFCE00  }
0x17d: {  	[spmem:s2] =	stream.indirect.scatter.add.f32 [tilespmem:s17], [sflag:$0x4], $0x80, s28, s16, $0xb8;
	[tilespmem:$0x1EC80] =	vst v63  }
0x17e: {  	_ =	swait.ge [sflag:s14], $0x3200  }
0x17f: {  	[sflag:s14] =	ssyncset.done $0x0  }
0x180: {  	[sflag:s14] =	ssyncadd.s32 $0xFFFFCE00  }
0x181: {  	[tilespmem:s17], [sflag:$0x1] =	stream.indirect.gather [hbm4b:s1+s16], $0x80, s29, s16, $0xb8;
	[tilespmem:$0x1EC80] =	vst v63  }
0x182: {  	_ =	swait.ge [sflag:s22], $0x3200  }
0x183: {  	[sflag:s22] =	ssyncset.done $0x0  }
0x184: {  	[sflag:s22] =	ssyncadd.s32 $0xFFFFCE00  }
0x185: {  	[spmem:s2] =	stream.indirect.scatter.add.f32 [tilespmem:s19], [sflag:$0x4], $0x80, s30, s16, $0xb8;
	[tilespmem:$0x1EC80] =	vst v63  }
0x186: {  	_ =	swait.ge [sflag:s14], $0x3200  }
0x187: {  	[sflag:s14] =	ssyncset.done $0x0  }
0x188: {  	[sflag:s14] =	ssyncadd.s32 $0xFFFFCE00  }
0x189: {  	[tilespmem:s19], [sflag:$0x2] =	stream.indirect.gather [hbm4b:s1+s16], $0x80, s31, s16, $0xb8;
	[tilespmem:$0x1EC80] =	vst v63  }
0x18a: {  	_ =	swait.ge [sflag:s23], $0x3200  }
0x18b: {  	[sflag:s23] =	ssyncset.done $0x0  }
0x18c: {  	[sflag:s23] =	ssyncadd.s32 $0xFFFFCE00  }
0x18d: {  	[spmem:s2] =	stream.indirect.scatter.add.f32 [tilespmem:s20], [sflag:$0x4], $0x80, s0, s16, $0xb8;
	[tilespmem:$0x1EC80] =	vst v63  }
0x18e: {  	_ =	swait.ge [sflag:s14], $0x3200  }
0x18f: {  	[sflag:s14] =	ssyncset.done $0x0  }
0x190: {  	[sflag:s14] =	ssyncadd.s32 $0xFFFFCE00  }
0x191: {  	_ =	swait.ge [sflag:s21], $0x3200  }
0x192: {  	[sflag:s21] =	ssyncset.done $0x0  }
0x193: {  	[sflag:s21] =	ssyncadd.s32 $0xFFFFCE00  }
0x194: {  	[spmem:s2] =	stream.indirect.scatter.add.f32 [tilespmem:s17], [sflag:$0x4], $0x80, s18, s16, $0xb8;
	[tilespmem:$0x1EC80] =	vst v63  }
0x195: {  	_ =	swait.ge [sflag:s14], $0x3200  }
0x196: {  	[sflag:s14] =	ssyncset.done $0x0  }
0x197: {  	s10 =	sadd.s32 $0x180, s10;
	[sflag:s14] =	ssyncadd.s32 $0xFFFFCE00  }
0x198: {  	p1 =	sne.s32 s10, $0x780;
	_ =	swait.ge [sflag:s22], $0x3200  }
.Ltmp0:
0x199: {  	[sflag:s22] =	ssyncset.done $0x0;
	(pc) =	sbr.rel @p1 .LBB2_2-.Ltmp0, $4  }
0x19a: {  	[sflag:s22] =	ssyncadd.s32 $0xFFFFCE00  }
0x19b: {  	[spmem:s2] =	stream.indirect.scatter.add.f32 [tilespmem:s19], [sflag:$0x4], $0x80, s4, s16, $0xb8;
	[tilespmem:$0x1EC80] =	vst v63  }
0x19c: {  	_ =	swait.ge [sflag:s14], $0x3200  }
0x19d: {  	s11 =	rddreg [dreg:$0x5];
	[sflag:s14] =	ssyncset.done $0x0  }
0x19e: {  	[sflag:s14] =	ssyncadd.s32 $0xFFFFCE00;
	p1 =	seq.s32 s9, $0x0  }
0x19f: {  	s3 =	sadd.s32 @!p1 s9, s11;
	s10 =	simm.s32 @!p1 $0x0;
	s11 =	simm.s32 @!p1 $0x4  }
0x1a0: {  	[tilespmem:s10], [sflag:$0x4] =	stream.linear.gather @!p1 [hbm4b:s3+s10], $0xA00, $0x38;
	[tilespmem:$0x1EC80] =	vst v63  }
0x1a1: {  	_ =	swait.ge @!p1 [sflag:s11], $0xA00  }
0x1a2: {  	s3 =	rddreg [dreg:$0x4];
	[sflag:s11] =	ssyncset.done @!p1 $0x0  }
0x1a3: {  	[sflag:s11] =	ssyncadd.s32 @!p1 $0xFFFFF600;
	s3 =	sadd.s32 @!p1 s9, s3;
	s9 =	simm.s32 @!p1 $0xC00  }
0x1a4: {  	[tilespmem:s9], [sflag:$0x4] =	stream.linear.gather @!p1 [hbm4b:s3+s10], $0xA00, $0x38;
	[tilespmem:$0x1EC80] =	vst v63  }
0x1a5: {  	_ =	swait.ge @!p1 [sflag:s11], $0xA00  }
0x1a6: {  	[sflag:s11] =	ssyncset.done @!p1 $0x0  }
0x1a7: {  	s3 =	simm.s32 @!p1 $0x64;
	s9 =	simm.s32 @!p1 $0x1800;
	[sflag:s11] =	ssyncadd.s32 @!p1 $0xFFFFF600  }
0x1a8: {  	[tilespmem:s9], [sflag:$0x1] =	stream.indirect.gather @!p1 [hbm4b:s1+s3], $0x80, s10, s3, $0xb8;
	[tilespmem:$0x1EC80] =	vst v63  }
0x1a9: {  	s9 =	simm.s32 @!p1 $0x80;
	s10 =	simm.s32 @!p1 $0x4C00  }
0x1aa: {  	[tilespmem:s10], [sflag:$0x2] =	stream.indirect.gather @!p1 [hbm4b:s1+s3], $0x80, s9, s3, $0xb8;
	[tilespmem:$0x1EC80] =	vst v63  }
0x1ab: {  	s13 =	rddreg [dreg:$0x6]  }
0x1ac: {  	[tilespmem:s20], [sflag:$0x3] =	stream.indirect.gather [hbm4b:s1+s16], $0x80, s13, s16, $0xb8;
	[tilespmem:$0x1EC80] =	vst v63  }
0x1ad: {  	_ =	swait.ge [sflag:s21], $0x3200  }
0x1ae: {  	[sflag:s21] =	ssyncset.done $0x0  }
0x1af: {  	[sflag:s21] =	ssyncadd.s32 $0xFFFFCE00  }
0x1b0: {  	[spmem:s2] =	stream.indirect.scatter.add.f32 [tilespmem:s17], [sflag:$0x4], $0x80, s15, s16, $0xb8;
	[tilespmem:$0x1EC80] =	vst v63  }
0x1b1: {  	_ =	swait.ge [sflag:s14], $0x3200  }
0x1b2: {  	[sflag:s14] =	ssyncset.done $0x0  }
0x1b3: {  	s11 =	rddreg [dreg:$0x7];
	[sflag:s14] =	ssyncadd.s32 $0xFFFFCE00  }
0x1b4: {  	[tilespmem:s17], [sflag:$0x1] =	stream.indirect.gather [hbm4b:s1+s16], $0x80, s11, s16, $0xb8;
	[tilespmem:$0x1EC80] =	vst v63  }
0x1b5: {  	_ =	swait.ge [sflag:s22], $0x3200  }
0x1b6: {  	[sflag:s22] =	ssyncset.done $0x0  }
0x1b7: {  	s12 =	rddreg [dreg:$0x8];
	[sflag:s22] =	ssyncadd.s32 $0xFFFFCE00  }
0x1b8: {  	[spmem:s2] =	stream.indirect.scatter.add.f32 [tilespmem:s19], [sflag:$0x4], $0x80, s12, s16, $0xb8;
	[tilespmem:$0x1EC80] =	vst v63  }
0x1b9: {  	_ =	swait.ge [sflag:s14], $0x3200  }
0x1ba: {  	[sflag:s14] =	ssyncset.done $0x0  }
0x1bb: {  	s13 =	rddreg [dreg:$0x9];
	[sflag:s14] =	ssyncadd.s32 $0xFFFFCE00  }
0x1bc: {  	[tilespmem:s19], [sflag:$0x2] =	stream.indirect.gather [hbm4b:s1+s16], $0x80, s13, s16, $0xb8;
	[tilespmem:$0x1EC80] =	vst v63  }
0x1bd: {  	_ =	swait.ge [sflag:s23], $0x3200  }
0x1be: {  	[sflag:s23] =	ssyncset.done $0x0  }
0x1bf: {  	s9 =	rddreg [dreg:$0xa];
	[sflag:s23] =	ssyncadd.s32 $0xFFFFCE00  }
0x1c0: {  	[spmem:s2] =	stream.indirect.scatter.add.f32 [tilespmem:s20], [sflag:$0x4], $0x80, s9, s16, $0xb8;
	[tilespmem:$0x1EC80] =	vst v63  }
0x1c1: {  	_ =	swait.ge [sflag:s14], $0x3200  }
0x1c2: {  	[sflag:s14] =	ssyncset.done $0x0  }
0x1c3: {  	s10 =	rddreg [dreg:$0xb];
	[sflag:s14] =	ssyncadd.s32 $0xFFFFCE00  }
0x1c4: {  	[tilespmem:s20], [sflag:$0x3] =	stream.indirect.gather [hbm4b:s1+s16], $0x80, s10, s16, $0xb8;
	[tilespmem:$0x1EC80] =	vst v63  }
0x1c5: {  	_ =	swait.ge [sflag:s21], $0x3200  }
0x1c6: {  	[sflag:s21] =	ssyncset.done $0x0  }
0x1c7: {  	s11 =	rddreg [dreg:$0xc];
	[sflag:s21] =	ssyncadd.s32 $0xFFFFCE00  }
0x1c8: {  	[spmem:s2] =	stream.indirect.scatter.add.f32 [tilespmem:s17], [sflag:$0x4], $0x80, s11, s16, $0xb8;
	[tilespmem:$0x1EC80] =	vst v63  }
0x1c9: {  	_ =	swait.ge [sflag:s14], $0x3200  }
0x1ca: {  	[sflag:s14] =	ssyncset.done $0x0  }
0x1cb: {  	s12 =	rddreg [dreg:$0xd];
	[sflag:s14] =	ssyncadd.s32 $0xFFFFCE00  }
0x1cc: {  	[tilespmem:s17], [sflag:$0x1] =	stream.indirect.gather [hbm4b:s1+s16], $0x80, s12, s16, $0xb8;
	[tilespmem:$0x1EC80] =	vst v63  }
0x1cd: {  	_ =	swait.ge [sflag:s22], $0x3200  }
0x1ce: {  	[sflag:s22] =	ssyncset.done $0x0  }
0x1cf: {  	s13 =	rddreg [dreg:$0xe];
	[sflag:s22] =	ssyncadd.s32 $0xFFFFCE00  }
0x1d0: {  	[spmem:s2] =	stream.indirect.scatter.add.f32 [tilespmem:s19], [sflag:$0x4], $0x80, s13, s16, $0xb8;
	[tilespmem:$0x1EC80] =	vst v63  }
0x1d1: {  	_ =	swait.ge [sflag:s14], $0x3200  }
0x1d2: {  	[sflag:s14] =	ssyncset.done $0x0  }
0x1d3: {  	s9 =	rddreg [dreg:$0xf];
	[sflag:s14] =	ssyncadd.s32 $0xFFFFCE00  }
0x1d4: {  	[tilespmem:s19], [sflag:$0x2] =	stream.indirect.gather [hbm4b:s1+s16], $0x80, s9, s16, $0xb8;
	[tilespmem:$0x1EC80] =	vst v63  }
0x1d5: {  	_ =	swait.ge [sflag:s23], $0x3200  }
0x1d6: {  	[sflag:s23] =	ssyncset.done $0x0  }
0x1d7: {  	s10 =	rddreg [dreg:$0x10];
	[sflag:s23] =	ssyncadd.s32 $0xFFFFCE00  }
0x1d8: {  	[spmem:s2] =	stream.indirect.scatter.add.f32 [tilespmem:s20], [sflag:$0x4], $0x80, s10, s16, $0xb8;
	[tilespmem:$0x1EC80] =	vst v63  }
0x1d9: {  	_ =	swait.ge [sflag:s14], $0x3200  }
0x1da: {  	[sflag:s14] =	ssyncset.done $0x0  }
0x1db: {  	s11 =	rddreg [dreg:$0x11];
	[sflag:s14] =	ssyncadd.s32 $0xFFFFCE00  }
0x1dc: {  	[tilespmem:s20], [sflag:$0x3] =	stream.indirect.gather [hbm4b:s1+s16], $0x80, s11, s16, $0xb8;
	[tilespmem:$0x1EC80] =	vst v63  }
0x1dd: {  	_ =	swait.ge [sflag:s21], $0x3200  }
0x1de: {  	[sflag:s21] =	ssyncset.done $0x0  }
0x1df: {  	s12 =	rddreg [dreg:$0x12];
	[sflag:s21] =	ssyncadd.s32 $0xFFFFCE00  }
0x1e0: {  	[spmem:s2] =	stream.indirect.scatter.add.f32 [tilespmem:s17], [sflag:$0x4], $0x80, s12, s16, $0xb8;
	[tilespmem:$0x1EC80] =	vst v63  }
0x1e1: {  	_ =	swait.ge [sflag:s14], $0x3200  }
0x1e2: {  	[sflag:s14] =	ssyncset.done $0x0  }
0x1e3: {  	s13 =	rddreg [dreg:$0x13];
	[sflag:s14] =	ssyncadd.s32 $0xFFFFCE00  }
0x1e4: {  	[tilespmem:s17], [sflag:$0x1] =	stream.indirect.gather [hbm4b:s1+s16], $0x80, s13, s16, $0xb8;
	[tilespmem:$0x1EC80] =	vst v63  }
0x1e5: {  	_ =	swait.ge [sflag:s22], $0x3200  }
0x1e6: {  	[sflag:s22] =	ssyncset.done $0x0  }
0x1e7: {  	s9 =	rddreg [dreg:$0x14];
	[sflag:s22] =	ssyncadd.s32 $0xFFFFCE00  }
0x1e8: {  	[spmem:s2] =	stream.indirect.scatter.add.f32 [tilespmem:s19], [sflag:$0x4], $0x80, s9, s16, $0xb8;
	[tilespmem:$0x1EC80] =	vst v63  }
0x1e9: {  	_ =	swait.ge [sflag:s14], $0x3200  }
0x1ea: {  	[sflag:s14] =	ssyncset.done $0x0  }
0x1eb: {  	s10 =	rddreg [dreg:$0x15];
	[sflag:s14] =	ssyncadd.s32 $0xFFFFCE00  }
0x1ec: {  	[tilespmem:s19], [sflag:$0x2] =	stream.indirect.gather [hbm4b:s1+s16], $0x80, s10, s16, $0xb8;
	[tilespmem:$0x1EC80] =	vst v63  }
0x1ed: {  	_ =	swait.ge [sflag:s23], $0x3200  }
0x1ee: {  	[sflag:s23] =	ssyncset.done $0x0  }
0x1ef: {  	s11 =	rddreg [dreg:$0x16];
	[sflag:s23] =	ssyncadd.s32 $0xFFFFCE00  }
0x1f0: {  	[spmem:s2] =	stream.indirect.scatter.add.f32 [tilespmem:s20], [sflag:$0x4], $0x80, s11, s16, $0xb8;
	[tilespmem:$0x1EC80] =	vst v63  }
0x1f1: {  	_ =	swait.ge [sflag:s14], $0x3200  }
0x1f2: {  	[sflag:s14] =	ssyncset.done $0x0  }
0x1f3: {  	s12 =	rddreg [dreg:$0x17];
	[sflag:s14] =	ssyncadd.s32 $0xFFFFCE00  }
0x1f4: {  	[tilespmem:s20], [sflag:$0x3] =	stream.indirect.gather [hbm4b:s1+s16], $0x80, s12, s16, $0xb8;
	[tilespmem:$0x1EC80] =	vst v63  }
0x1f5: {  	_ =	swait.ge [sflag:s21], $0x3200  }
0x1f6: {  	[sflag:s21] =	ssyncset.done $0x0  }
0x1f7: {  	s13 =	rddreg [dreg:$0x18];
	[sflag:s21] =	ssyncadd.s32 $0xFFFFCE00  }
0x1f8: {  	[spmem:s2] =	stream.indirect.scatter.add.f32 [tilespmem:s17], [sflag:$0x4], $0x80, s13, s16, $0xb8;
	[tilespmem:$0x1EC80] =	vst v63  }
0x1f9: {  	_ =	swait.ge [sflag:s14], $0x3200  }
0x1fa: {  	[sflag:s14] =	ssyncset.done $0x0  }
0x1fb: {  	s9 =	rddreg [dreg:$0x19];
	[sflag:s14] =	ssyncadd.s32 $0xFFFFCE00  }
0x1fc: {  	[tilespmem:s17], [sflag:$0x1] =	stream.indirect.gather [hbm4b:s1+s16], $0x80, s9, s16, $0xb8;
	[tilespmem:$0x1EC80] =	vst v63  }
0x1fd: {  	_ =	swait.ge [sflag:s22], $0x3200  }
0x1fe: {  	[sflag:s22] =	ssyncset.done $0x0  }
0x1ff: {  	s10 =	rddreg [dreg:$0x1a];
	[sflag:s22] =	ssyncadd.s32 $0xFFFFCE00  }
0x200: {  	[spmem:s2] =	stream.indirect.scatter.add.f32 [tilespmem:s19], [sflag:$0x4], $0x80, s10, s16, $0xb8;
	[tilespmem:$0x1EC80] =	vst v63  }
0x201: {  	_ =	swait.ge [sflag:s14], $0x3200  }
0x202: {  	[sflag:s14] =	ssyncset.done $0x0  }
0x203: {  	s11 =	rddreg [dreg:$0x1b];
	[sflag:s14] =	ssyncadd.s32 $0xFFFFCE00  }
0x204: {  	[tilespmem:s19], [sflag:$0x2] =	stream.indirect.gather [hbm4b:s1+s16], $0x80, s11, s16, $0xb8;
	[tilespmem:$0x1EC80] =	vst v63  }
0x205: {  	_ =	swait.ge [sflag:s23], $0x3200  }
0x206: {  	[sflag:s23] =	ssyncset.done $0x0  }
0x207: {  	s12 =	rddreg [dreg:$0x1c];
	[sflag:s23] =	ssyncadd.s32 $0xFFFFCE00  }
0x208: {  	[spmem:s2] =	stream.indirect.scatter.add.f32 [tilespmem:s20], [sflag:$0x4], $0x80, s12, s16, $0xb8;
	[tilespmem:$0x1EC80] =	vst v63  }
0x209: {  	_ =	swait.ge [sflag:s14], $0x3200  }
0x20a: {  	[sflag:s14] =	ssyncset.done $0x0  }
0x20b: {  	s13 =	rddreg [dreg:$0x1d];
	[sflag:s14] =	ssyncadd.s32 $0xFFFFCE00  }
0x20c: {  	[tilespmem:s20], [sflag:$0x3] =	stream.indirect.gather [hbm4b:s1+s16], $0x80, s13, s16, $0xb8;
	[tilespmem:$0x1EC80] =	vst v63  }
0x20d: {  	_ =	swait.ge [sflag:s21], $0x3200  }
0x20e: {  	[sflag:s21] =	ssyncset.done $0x0  }
0x20f: {  	s9 =	rddreg [dreg:$0x1e];
	[sflag:s21] =	ssyncadd.s32 $0xFFFFCE00  }
0x210: {  	[spmem:s2] =	stream.indirect.scatter.add.f32 [tilespmem:s17], [sflag:$0x4], $0x80, s9, s16, $0xb8;
	[tilespmem:$0x1EC80] =	vst v63  }
0x211: {  	_ =	swait.ge [sflag:s14], $0x3200  }
0x212: {  	[sflag:s14] =	ssyncset.done $0x0  }
0x213: {  	s10 =	rddreg [dreg:$0x1f];
	[sflag:s14] =	ssyncadd.s32 $0xFFFFCE00  }
0x214: {  	[tilespmem:s17], [sflag:$0x1] =	stream.indirect.gather [hbm4b:s1+s16], $0x80, s10, s16, $0xb8;
	[tilespmem:$0x1EC80] =	vst v63  }
0x215: {  	_ =	swait.ge [sflag:s22], $0x3200  }
0x216: {  	s11 =	sld [smem:$0x7FD]  }
0x217: {  	[sflag:s22] =	ssyncset.done $0x0  }
0x218: {  	[sflag:s22] =	ssyncadd.s32 $0xFFFFCE00  }
0x219: {  	[spmem:s2] =	stream.indirect.scatter.add.f32 [tilespmem:s19], [sflag:$0x4], $0x80, s11, s16, $0xb8;
	[tilespmem:$0x1EC80] =	vst v63  }
0x21a: {  	_ =	swait.ge [sflag:s14], $0x3200  }
0x21b: {  	[sflag:s14] =	ssyncset.done $0x0  }
0x21c: {  	[sflag:s14] =	ssyncadd.s32 $0xFFFFCE00  }
0x21d: {  	[tilespmem:s19], [sflag:$0x2] =	stream.indirect.gather [hbm4b:s1+s16], $0x80, s24, s16, $0xb8;
	[tilespmem:$0x1EC80] =	vst v63  }
0x21e: {  	_ =	swait.ge [sflag:s23], $0x3200  }
0x21f: {  	[sflag:s23] =	ssyncset.done $0x0  }
0x220: {  	[sflag:s23] =	ssyncadd.s32 $0xFFFFCE00  }
0x221: {  	[spmem:s2] =	stream.indirect.scatter.add.f32 [tilespmem:s20], [sflag:$0x4], $0x80, s25, s16, $0xb8;
	[tilespmem:$0x1EC80] =	vst v63  }
0x222: {  	_ =	swait.ge [sflag:s14], $0x3200  }
0x223: {  	[sflag:s14] =	ssyncset.done $0x0  }
0x224: {  	[sflag:s14] =	ssyncadd.s32 $0xFFFFCE00  }
0x225: {  	[tilespmem:s20], [sflag:$0x3] =	stream.indirect.gather [hbm4b:s1+s16], $0x80, s26, s16, $0xb8;
	[tilespmem:$0x1EC80] =	vst v63  }
0x226: {  	_ =	swait.ge [sflag:s21], $0x3200  }
0x227: {  	[sflag:s21] =	ssyncset.done $0x0  }
0x228: {  	[sflag:s21] =	ssyncadd.s32 $0xFFFFCE00  }
0x229: {  	[spmem:s2] =	stream.indirect.scatter.add.f32 [tilespmem:s17], [sflag:$0x4], $0x80, s28, s16, $0xb8;
	[tilespmem:$0x1EC80] =	vst v63  }
0x22a: {  	_ =	swait.ge [sflag:s14], $0x3200  }
0x22b: {  	[sflag:s14] =	ssyncset.done $0x0  }
0x22c: {  	[sflag:s14] =	ssyncadd.s32 $0xFFFFCE00  }
0x22d: {  	[tilespmem:s17], [sflag:$0x1] =	stream.indirect.gather [hbm4b:s1+s16], $0x80, s29, s16, $0xb8;
	[tilespmem:$0x1EC80] =	vst v63  }
0x22e: {  	_ =	swait.ge [sflag:s22], $0x3200  }
0x22f: {  	[sflag:s22] =	ssyncset.done $0x0  }
0x230: {  	[sflag:s22] =	ssyncadd.s32 $0xFFFFCE00  }
0x231: {  	[spmem:s2] =	stream.indirect.scatter.add.f32 [tilespmem:s19], [sflag:$0x4], $0x80, s30, s16, $0xb8;
	[tilespmem:$0x1EC80] =	vst v63  }
0x232: {  	_ =	swait.ge [sflag:s14], $0x3200  }
0x233: {  	[sflag:s14] =	ssyncset.done $0x0  }
0x234: {  	[sflag:s14] =	ssyncadd.s32 $0xFFFFCE00  }
0x235: {  	[tilespmem:s19], [sflag:$0x2] =	stream.indirect.gather [hbm4b:s1+s16], $0x80, s31, s16, $0xb8;
	[tilespmem:$0x1EC80] =	vst v63  }
0x236: {  	_ =	swait.ge [sflag:s23], $0x3200  }
0x237: {  	[sflag:s23] =	ssyncset.done $0x0  }
0x238: {  	[sflag:s23] =	ssyncadd.s32 $0xFFFFCE00  }
0x239: {  	[spmem:s2] =	stream.indirect.scatter.add.f32 [tilespmem:s20], [sflag:$0x4], $0x80, s0, s16, $0xb8;
	[tilespmem:$0x1EC80] =	vst v63  }
0x23a: {  	_ =	swait.ge [sflag:s14], $0x3200  }
0x23b: {  	[sflag:s14] =	ssyncset.done $0x0  }
0x23c: {  	[sflag:s14] =	ssyncadd.s32 $0xFFFFCE00  }
0x23d: {  	_ =	swait.ge [sflag:s21], $0x3200  }
0x23e: {  	[sflag:s21] =	ssyncset.done $0x0  }
0x23f: {  	[sflag:s21] =	ssyncadd.s32 $0xFFFFCE00  }
0x240: {  	[spmem:s2] =	stream.indirect.scatter.add.f32 [tilespmem:s17], [sflag:$0x4], $0x80, s18, s16, $0xb8;
	[tilespmem:$0x1EC80] =	vst v63  }
0x241: {  	_ =	swait.ge [sflag:s14], $0x3200  }
0x242: {  	[sflag:s14] =	ssyncset.done $0x0  }
0x243: {  	[sflag:s14] =	ssyncadd.s32 $0xFFFFCE00  }
0x244: {  	_ =	swait.ge [sflag:s22], $0x3200  }
0x245: {  	[sflag:s22] =	ssyncset.done $0x0  }
0x246: {  	[sflag:s22] =	ssyncadd.s32 $0xFFFFCE00  }
0x247: {  	[spmem:s2] =	stream.indirect.scatter.add.f32 [tilespmem:s19], [sflag:$0x4], $0x80, s4, s16, $0xb8;
	[tilespmem:$0x1EC80] =	vst v63  }
0x248: {  	_ =	swait.ge [sflag:s14], $0x3200  }
0x249: {  	[sflag:s14] =	ssyncset.done $0x0  }
0x24a: {  	[sflag:s14] =	ssyncadd.s32 $0xFFFFCE00  }
0x24b: {  	[bflag:$0x0] =	sbarrier.arrive $0xFFFF  }
0x24c: {  	s12 =	sld [smem:$0x7FA];
	_ =	sdelay $0x2  }
0x24d: {  	[hbm:s12], [sflag:s6] =	dma.local [spmem:s7], $0x2700  }
0x24e: {  	_ =	swait.ge [sflag:s14], $0x2700  }
0x24f: {  	s3 =	sld [smem:$0x7FB]  }
0x250: {  	[sflag:s14] =	ssyncset.done $0x0  }
0x251: {  	[sflag:s14] =	ssyncadd.s32 $0xFFFFD900  }
0x252: {  	[hbm:s3], [sflag:s6] =	dma.local @!p0 [spmem:s8], $0x100  }
0x253: {  	s3 =	simm.s32 @!p0 $0x4  }
0x254: {  	_ =	swait.ge @!p0 [sflag:s3], $0x100  }
0x255: {  	s13 =	sld [smem:$0x7FC];
	_ =	sdelay $0x1  }
0x256: {  	s5 =	sadd.s32 $0x1, s5  }
0x257: {  	p1 =	sne.s32 s5, s13  }
.Ltmp1:
0x258: {  	_ = 	snop;
	(pc) =	sbr.rel @p1 .LBB2_1-.Ltmp1, $3  }
0x259: {  	_ =	sdelay $0x1  }
0x25a: {  	[sflag:s3] =	ssyncset.done @!p0 $0x0  }
0x25b: {  	[sflag:s3] =	ssyncadd.s32 @!p0 $0xFFFFFF00  }
0x25c: {  	_ =	sfence.sel $0x180000  }
0x25d: {  	[bflag:$0x0] =	sbarrier.arrive $0xFFFF  }
0x25e: {  	_ =	strace $0x90000047  }
0x25f: {  	[bflag:$0x2] =	sbarrier.arrive $0xFFFF  }
0x260: {  	s0 =	rddreg [dreg:$0x3]  }
0x261: {  	s0 =	sadd.s32 @!p0 $0x100000, s0  }
0x262: {  	[sflag:s0] =	ssyncadd.tile.s32 @!p0 $0x1;
	_ =	shalt  }
.Lfunc_end2:
_tile_overlayer_lowered:
.L_overlay_start_2:
0x263: {  	(tag) =	ssettag $0x2  }
0x264: {  	s0 =	rddreg [dreg:$0x0];
	s2 =	stileid.u32  }
0x265: {  	s1 =	rddreg [dreg:$0x1];
	p0 =	sne.s32 s2, $0x0  }
0x266: {  	s3 =	rddreg [dreg:$0x2];
	[bflag:$0x3] =	sbarrier.arrive $0xFFFF;
	s2 =	simm.s32 @!p0 $0x1C04  }
0x267: {  	[timem:s3], [sflag:s2] =	dma.local @!p0 [hbm:s0], s1  }
0x268: {  	s0 =	simm.s32 @!p0 $0x4  }
0x269: {  	_ =	swait.ge @!p0 [sflag:s0], s1  }
0x26a: {  	s1 =	ssub.s32 @!p0 $0x0, s1;
	[sflag:s0] =	ssyncset.done @!p0 $0x0  }
0x26b: {  	[sflag:s0] =	ssyncadd.s32 @!p0 s1  }
0x26c: {  	[bflag:$0x3] =	sbarrier.arrive $0xFFFF  }
0x26d: {  	_ =	shalt  }

</sc_bundles>
